<compile_context>
chip_gen: v7x
topology: tpu7x:2x2x1
jax: 0.10.2.dev20260603
libtpu: 0.0.44.dev20260713+nightly
codegen_flags: <defaults>
</compile_context>

<pallas_src>
import functools

import jax
import jax.numpy as jnp
from jax import lax
from jax.experimental import pallas as pl
from jax.experimental.pallas import tpu as pltpu
from jax.experimental.pallas import tpu_sc as plsc

L0, L1, L2, L3 = 16, 24, 24, 16
OFF_X, OFF_B1, OFF_B2, OFF_B3 = 0, 16, 48, 80
OFF_W1, OFF_W2, OFF_W3 = 96, 608, 1376
PACKED = 1760


def _bcast(v, i):
    idx = jnp.full((16,), i, dtype=jnp.int32)
    return v.at[idx].get(mode="promise_in_bounds", indices_are_sorted=True)


def _silu(z):
    return z / (1.0 + jnp.exp(-z))


def _body(p_h, out_h, p_v, out_v):
    c = lax.axis_index("c")
    s = lax.axis_index("s")

    @pl.when(jnp.logical_and(c == 0, s == 0))
    def _():
        pltpu.sync_copy(p_h, p_v)

        x = p_v[pl.ds(OFF_X, 16)]
        h1a = p_v[pl.ds(OFF_B1, 16)]
        h1b = p_v[pl.ds(OFF_B1 + 16, 16)]
        for i in range(L0):
            sc = _bcast(x, i)
            h1a = h1a + sc * p_v[pl.ds(OFF_W1 + 32 * i, 16)]
            h1b = h1b + sc * p_v[pl.ds(OFF_W1 + 32 * i + 16, 16)]
        h1a = _silu(h1a)
        h1b = _silu(h1b)

        h2a = p_v[pl.ds(OFF_B2, 16)]
        h2b = p_v[pl.ds(OFF_B2 + 16, 16)]
        for i in range(L1):
            sc = _bcast(h1a, i) if i < 16 else _bcast(h1b, i - 16)
            h2a = h2a + sc * p_v[pl.ds(OFF_W2 + 32 * i, 16)]
            h2b = h2b + sc * p_v[pl.ds(OFF_W2 + 32 * i + 16, 16)]
        h2a = _silu(h2a)
        h2b = _silu(h2b)

        y = p_v[pl.ds(OFF_B3, 16)]
        for i in range(L2):
            sc = _bcast(h2a, i) if i < 16 else _bcast(h2b, i - 16)
            y = y + sc * p_v[pl.ds(OFF_W3 + 16 * i, 16)]

        out_v[...] = y
        pltpu.sync_copy(out_v, out_h)


@functools.partial(
    pl.kernel,
    out_type=jax.ShapeDtypeStruct((L3,), jnp.float32),
    mesh=plsc.VectorSubcoreMesh(core_axis_name="c", subcore_axis_name="s"),
    scratch_types=[
        pltpu.VMEM((PACKED,), jnp.float32),
        pltpu.VMEM((L3,), jnp.float32),
    ],
)
def _mlp_sc(p_h, out_h, p_v, out_v):
    _body(p_h, out_h, p_v, out_v)


def kernel(x, W1, W2, W3, bias):
    f32 = jnp.float32
    w1t = jnp.zeros((L0, 32), f32).at[:, :L1].set(W1.T)
    w2t = jnp.zeros((L1, 32), f32).at[:, :L2].set(W2.T)
    w3t = W3.T
    b1 = jnp.zeros((32,), f32).at[:L1].set(bias[16:40])
    b2 = jnp.zeros((32,), f32).at[:L2].set(bias[40:64])
    packed = jnp.concatenate([
        x, b1, b2, bias[64:80],
        w1t.reshape(-1), w2t.reshape(-1), w3t.reshape(-1),
    ])
    return _mlp_sc(packed)

# --- scband reference (transcript-rebuilt; emitter-appended) ---
"""Pipeline reference for scband-neural-network-24730421690845 (READ-ONLY COPY).

The authoritative reference and input builder live on the scoring server;
editing this copy changes nothing except your own understanding.
"""

import jax, jax.numpy as jnp
import numpy as np

# Layered DAG: 16 input -> 24 hidden -> 24 hidden -> 16 output, fully connected
# between consecutive layers. Topological sort is the identity permutation, so
# topo_sort_inv is identity, idxs[i] are contiguous ranges, and masks are all-ones.
L0, L1, L2, L3 = 16, 24, 24, 16
N = L0 + L1 + L2 + L3  # 80 neurons

def setup_inputs(seed: int = 0) -> dict:
    key = jax.random.key(seed)
    kx, k1, k2, k3, kb = jax.random.split(key, 5)
    x = jax.random.normal(kx, (L0,), dtype=jnp.float32)
    # weights[i] has shape (len(topo_batch_i), weight_length_i); here the masks
    # are dense ones so the masked weight matrices are full (out, in) matrices.
    W1 = jax.random.normal(k1, (L1, L0), dtype=jnp.float32) * 0.1
    W2 = jax.random.normal(k2, (L2, L1), dtype=jnp.float32) * 0.1
    W3 = jax.random.normal(k3, (L3, L2), dtype=jnp.float32) * 0.1
    bias = jax.random.normal(kb, (N,), dtype=jnp.float32) * 0.1
    return {"x": x, "W1": W1, "W2": W2, "W3": W3, "bias": bias}

def reference(x, W1, W2, W3, bias):
    tb0 = jnp.arange(0, L0)
    tb1 = jnp.arange(L0, L0 + L1)
    tb2 = jnp.arange(L0 + L1, L0 + L1 + L2)
    tb3 = jnp.arange(L0 + L1 + L2, N)
    values = jnp.zeros((N,), dtype=x.dtype)
    values = values.at[tb0].set(x)  # write input neurons (dropout_p=0 -> no-op)
    # topo batch 1 (hidden): gather inputs, masked weighted sum + bias, silu
    vals = jnp.take(values, tb0)
    out = (W1 * jnp.ones_like(W1)) @ vals + jnp.take(bias, tb1)
    out = jax.nn.silu(out)
    values = values.at[tb1].set(out)
    # topo batch 2 (hidden)
    vals = jnp.take(values, tb1)
    out = (W2 * jnp.ones_like(W2)) @ vals + jnp.take(bias, tb2)
    out = jax.nn.silu(out)
    values = values.at[tb2].set(out)
    # topo batch 3 (output): identity elementwise + identity group activation
    vals = jnp.take(values, tb2)
    out = (W3 * jnp.ones_like(W3)) @ vals + jnp.take(bias, tb3)
    values = values.at[tb3].set(out)
    # read output neurons in topo coordinates (identity permutation)
    return jnp.take(values, tb3)

if __name__ == "__main__":
    import jax
    _d = setup_inputs()
    print(jax.jit(kernel)(*tuple(_d.values())))

</pallas_src>

<mosaic_0001>
#map = affine_map<(d0, d1) -> (0)>
module attributes {stable_mosaic.version = 14 : i64} {
  func.func @_mlp_sc(%arg0: i32, %arg1: i32, %arg2: memref<1760xf32, #tpu.memory_space<hbm>>, %arg3: memref<16xf32, #tpu.memory_space<hbm>>, %arg4: memref<1760xf32, #tpu.memory_space<vmem>>, %arg5: memref<16xf32, #tpu.memory_space<vmem>>) attributes {dimension_semantics = [#tpu.dimension_semantics<core_parallel>, #tpu.dimension_semantics<subcore_parallel>], iteration_bounds = array<i64: 2, 16>, scalar_prefetch = 0 : i64, scratch_operands = 2 : i64, tpu.core_type = #tpu.core_type<sc_vector_subcore>, window_params = [{transform_indices = #map}, {transform_indices = #map}]} {
    %eq3A = arith.constant 0 : i32
    %eq3A_0 = arith.cmpi eq, %arg0, %eq3A : i32
    %eq3A_1 = arith.constant 0 : i32
    %eq3A_2 = arith.cmpi eq, %arg1, %eq3A_1 : i32
    %and3A = arith.andi %eq3A_0, %eq3A_2 : i1
    %convert_element_type3A = arith.extui %and3A : i1 to i32
    %cond3A = arith.constant 0 : i32
    %cond3A_3 = arith.cmpi ne, %convert_element_type3A, %cond3A : i32
    scf.if %cond3A_3 {
      "tpu.region"() ({
        %run_scoped3A = tpu.sem_alloc : memref<!tpu.dma_semaphore, #tpu.memory_space<semaphore_mem>>
        tpu.enqueue_dma source(%arg2 : memref<1760xf32, #tpu.memory_space<hbm>>) target(%arg4 : memref<1760xf32, #tpu.memory_space<vmem>>) target_semaphore(%run_scoped3A : memref<!tpu.dma_semaphore, #tpu.memory_space<semaphore_mem>>)
        tpu.wait_dma2 semaphore(%run_scoped3A : memref<!tpu.dma_semaphore, #tpu.memory_space<semaphore_mem>>) src(%arg2 : memref<1760xf32, #tpu.memory_space<hbm>>) dst(%arg4 : memref<1760xf32, #tpu.memory_space<vmem>>)
        tpu.yield
      }) : () -> ()
      %get3A = arith.constant 0 : index
      %get3A_4 = tpu.vector_load %arg4[%get3A] {strides = array<i32>} : memref<1760xf32, #tpu.memory_space<vmem>>, vector<16xf32>,
      %get3A_5 = vector.shape_cast %get3A_4 : vector<16xf32> to vector<16xf32>
      %get3A_6 = arith.constant 16 : index
      %get3A_7 = tpu.vector_load %arg4[%get3A_6] {strides = array<i32>} : memref<1760xf32, #tpu.memory_space<vmem>>, vector<16xf32>,
      %get3A_8 = vector.shape_cast %get3A_7 : vector<16xf32> to vector<16xf32>
      %get3A_9 = arith.constant 32 : index
      %get3A_10 = tpu.vector_load %arg4[%get3A_9] {strides = array<i32>} : memref<1760xf32, #tpu.memory_space<vmem>>, vector<16xf32>,
      %get3A_11 = vector.shape_cast %get3A_10 : vector<16xf32> to vector<16xf32>
      %broadcast_in_dim3A = arith.constant 0 : i32
      %broadcast_in_dim3A_12 = vector.broadcast %broadcast_in_dim3A : i32 to vector<16xi32>
      %lt3A = arith.constant 0 : i32
      %lt3A_13 = vector.broadcast %lt3A : i32 to vector<16xi32>
      %lt3A_14 = arith.cmpi slt, %broadcast_in_dim3A_12, %lt3A_13 : vector<16xi32>
      %add3A = arith.constant 16 : i32
      %add3A_15 = vector.broadcast %add3A : i32 to vector<16xi32>
      %add3A_16 = arith.addi %broadcast_in_dim3A_12, %add3A_15 : vector<16xi32>
      %select_n3A = arith.select %lt3A_14, %add3A_16, %broadcast_in_dim3A_12 : vector<16xi1>, vector<16xi32>
      %broadcast_in_dim3A_17 = vector.shape_cast %select_n3A : vector<16xi32> to vector<16x1xi32>
      %gather3A = vector.shape_cast %broadcast_in_dim3A_17 : vector<16x1xi32> to vector<16xi32>
      %gather3A_18 = tpu.dynamic_gather %get3A_5[%gather3A] in [0] : vector<16xf32>, vector<16xi32> -> vector<16xf32>
      %get3A_19 = arith.constant 96 : index
      %get3A_20 = tpu.vector_load %arg4[%get3A_19] {strides = array<i32>} : memref<1760xf32, #tpu.memory_space<vmem>>, vector<16xf32>,
      %get3A_21 = vector.shape_cast %get3A_20 : vector<16xf32> to vector<16xf32>
      %mul3A = arith.mulf %gather3A_18, %get3A_21 : vector<16xf32>
      %add3A_22 = arith.addf %get3A_8, %mul3A : vector<16xf32>
      %get3A_23 = arith.constant 112 : index
      %get3A_24 = tpu.vector_load %arg4[%get3A_23] {strides = array<i32>} : memref<1760xf32, #tpu.memory_space<vmem>>, vector<16xf32>,
      %get3A_25 = vector.shape_cast %get3A_24 : vector<16xf32> to vector<16xf32>
      %mul3A_26 = arith.mulf %gather3A_18, %get3A_25 : vector<16xf32>
      %add3A_27 = arith.addf %get3A_11, %mul3A_26 : vector<16xf32>
      %broadcast_in_dim3A_28 = arith.constant 1 : i32
      %broadcast_in_dim3A_29 = vector.broadcast %broadcast_in_dim3A_28 : i32 to vector<16xi32>
      %lt3A_30 = arith.constant 0 : i32
      %lt3A_31 = vector.broadcast %lt3A_30 : i32 to vector<16xi32>
      %lt3A_32 = arith.cmpi slt, %broadcast_in_dim3A_29, %lt3A_31 : vector<16xi32>
      %add3A_33 = arith.constant 16 : i32
      %add3A_34 = vector.broadcast %add3A_33 : i32 to vector<16xi32>
      %add3A_35 = arith.addi %broadcast_in_dim3A_29, %add3A_34 : vector<16xi32>
      %select_n3A_36 = arith.select %lt3A_32, %add3A_35, %broadcast_in_dim3A_29 : vector<16xi1>, vector<16xi32>
      %broadcast_in_dim3A_37 = vector.shape_cast %select_n3A_36 : vector<16xi32> to vector<16x1xi32>
      %gather3A_38 = vector.shape_cast %broadcast_in_dim3A_37 : vector<16x1xi32> to vector<16xi32>
      %gather3A_39 = tpu.dynamic_gather %get3A_5[%gather3A_38] in [0] : vector<16xf32>, vector<16xi32> -> vector<16xf32>
      %get3A_40 = arith.constant 128 : index
      %get3A_41 = tpu.vector_load %arg4[%get3A_40] {strides = array<i32>} : memref<1760xf32, #tpu.memory_space<vmem>>, vector<16xf32>,
      %get3A_42 = vector.shape_cast %get3A_41 : vector<16xf32> to vector<16xf32>
      %mul3A_43 = arith.mulf %gather3A_39, %get3A_42 : vector<16xf32>
      %add3A_44 = arith.addf %add3A_22, %mul3A_43 : vector<16xf32>
      %get3A_45 = arith.constant 144 : index
      %get3A_46 = tpu.vector_load %arg4[%get3A_45] {strides = array<i32>} : memref<1760xf32, #tpu.memory_space<vmem>>, vector<16xf32>,
      %get3A_47 = vector.shape_cast %get3A_46 : vector<16xf32> to vector<16xf32>
      %mul3A_48 = arith.mulf %gather3A_39, %get3A_47 : vector<16xf32>
      %add3A_49 = arith.addf %add3A_27, %mul3A_48 : vector<16xf32>
      %broadcast_in_dim3A_50 = arith.constant 2 : i32
      %broadcast_in_dim3A_51 = vector.broadcast %broadcast_in_dim3A_50 : i32 to vector<16xi32>
      %lt3A_52 = arith.constant 0 : i32
      %lt3A_53 = vector.broadcast %lt3A_52 : i32 to vector<16xi32>
      %lt3A_54 = arith.cmpi slt, %broadcast_in_dim3A_51, %lt3A_53 : vector<16xi32>
      %add3A_55 = arith.constant 16 : i32
      %add3A_56 = vector.broadcast %add3A_55 : i32 to vector<16xi32>
      %add3A_57 = arith.addi %broadcast_in_dim3A_51, %add3A_56 : vector<16xi32>
      %select_n3A_58 = arith.select %lt3A_54, %add3A_57, %broadcast_in_dim3A_51 : vector<16xi1>, vector<16xi32>
      %broadcast_in_dim3A_59 = vector.shape_cast %select_n3A_58 : vector<16xi32> to vector<16x1xi32>
      %gather3A_60 = vector.shape_cast %broadcast_in_dim3A_59 : vector<16x1xi32> to vector<16xi32>
      %gather3A_61 = tpu.dynamic_gather %get3A_5[%gather3A_60] in [0] : vector<16xf32>, vector<16xi32> -> vector<16xf32>
      %get3A_62 = arith.constant 160 : index
      %get3A_63 = tpu.vector_load %arg4[%get3A_62] {strides = array<i32>} : memref<1760xf32, #tpu.memory_space<vmem>>, vector<16xf32>,
      %get3A_64 = vector.shape_cast %get3A_63 : vector<16xf32> to vector<16xf32>
      %mul3A_65 = arith.mulf %gather3A_61, %get3A_64 : vector<16xf32>
      %add3A_66 = arith.addf %add3A_44, %mul3A_65 : vector<16xf32>
      %get3A_67 = arith.constant 176 : index
      %get3A_68 = tpu.vector_load %arg4[%get3A_67] {strides = array<i32>} : memref<1760xf32, #tpu.memory_space<vmem>>, vector<16xf32>,
      %get3A_69 = vector.shape_cast %get3A_68 : vector<16xf32> to vector<16xf32>
      %mul3A_70 = arith.mulf %gather3A_61, %get3A_69 : vector<16xf32>
      %add3A_71 = arith.addf %add3A_49, %mul3A_70 : vector<16xf32>
      %broadcast_in_dim3A_72 = arith.constant 3 : i32
      %broadcast_in_dim3A_73 = vector.broadcast %broadcast_in_dim3A_72 : i32 to vector<16xi32>
      %lt3A_74 = arith.constant 0 : i32
      %lt3A_75 = vector.broadcast %lt3A_74 : i32 to vector<16xi32>
      %lt3A_76 = arith.cmpi slt, %broadcast_in_dim3A_73, %lt3A_75 : vector<16xi32>
      %add3A_77 = arith.constant 16 : i32
      %add3A_78 = vector.broadcast %add3A_77 : i32 to vector<16xi32>
      %add3A_79 = arith.addi %broadcast_in_dim3A_73, %add3A_78 : vector<16xi32>
      %select_n3A_80 = arith.select %lt3A_76, %add3A_79, %broadcast_in_dim3A_73 : vector<16xi1>, vector<16xi32>
      %broadcast_in_dim3A_81 = vector.shape_cast %select_n3A_80 : vector<16xi32> to vector<16x1xi32>
      %gather3A_82 = vector.shape_cast %broadcast_in_dim3A_81 : vector<16x1xi32> to vector<16xi32>
      %gather3A_83 = tpu.dynamic_gather %get3A_5[%gather3A_82] in [0] : vector<16xf32>, vector<16xi32> -> vector<16xf32>
      %get3A_84 = arith.constant 192 : index
      %get3A_85 = tpu.vector_load %arg4[%get3A_84] {strides = array<i32>} : memref<1760xf32, #tpu.memory_space<vmem>>, vector<16xf32>,
      %get3A_86 = vector.shape_cast %get3A_85 : vector<16xf32> to vector<16xf32>
      %mul3A_87 = arith.mulf %gather3A_83, %get3A_86 : vector<16xf32>
      %add3A_88 = arith.addf %add3A_66, %mul3A_87 : vector<16xf32>
      %get3A_89 = arith.constant 208 : index
      %get3A_90 = tpu.vector_load %arg4[%get3A_89] {strides = array<i32>} : memref<1760xf32, #tpu.memory_space<vmem>>, vector<16xf32>,
      %get3A_91 = vector.shape_cast %get3A_90 : vector<16xf32> to vector<16xf32>
      %mul3A_92 = arith.mulf %gather3A_83, %get3A_91 : vector<16xf32>
      %add3A_93 = arith.addf %add3A_71, %mul3A_92 : vector<16xf32>
      %broadcast_in_dim3A_94 = arith.constant 4 : i32
      %broadcast_in_dim3A_95 = vector.broadcast %broadcast_in_dim3A_94 : i32 to vector<16xi32>
      %lt3A_96 = arith.constant 0 : i32
      %lt3A_97 = vector.broadcast %lt3A_96 : i32 to vector<16xi32>
      %lt3A_98 = arith.cmpi slt, %broadcast_in_dim3A_95, %lt3A_97 : vector<16xi32>
      %add3A_99 = arith.constant 16 : i32
      %add3A_100 = vector.broadcast %add3A_99 : i32 to vector<16xi32>
      %add3A_101 = arith.addi %broadcast_in_dim3A_95, %add3A_100 : vector<16xi32>
      %select_n3A_102 = arith.select %lt3A_98, %add3A_101, %broadcast_in_dim3A_95 : vector<16xi1>, vector<16xi32>
      %broadcast_in_dim3A_103 = vector.shape_cast %select_n3A_102 : vector<16xi32> to vector<16x1xi32>
      %gather3A_104 = vector.shape_cast %broadcast_in_dim3A_103 : vector<16x1xi32> to vector<16xi32>
      %gather3A_105 = tpu.dynamic_gather %get3A_5[%gather3A_104] in [0] : vector<16xf32>, vector<16xi32> -> vector<16xf32>
      %get3A_106 = arith.constant 224 : index
      %get3A_107 = tpu.vector_load %arg4[%get3A_106] {strides = array<i32>} : memref<1760xf32, #tpu.memory_space<vmem>>, vector<16xf32>,
      %get3A_108 = vector.shape_cast %get3A_107 : vector<16xf32> to vector<16xf32>
      %mul3A_109 = arith.mulf %gather3A_105, %get3A_108 : vector<16xf32>
      %add3A_110 = arith.addf %add3A_88, %mul3A_109 : vector<16xf32>
      %get3A_111 = arith.constant 240 : index
      %get3A_112 = tpu.vector_load %arg4[%get3A_111] {strides = array<i32>} : memref<1760xf32, #tpu.memory_space<vmem>>, vector<16xf32>,
      %get3A_113 = vector.shape_cast %get3A_112 : vector<16xf32> to vector<16xf32>
      %mul3A_114 = arith.mulf %gather3A_105, %get3A_113 : vector<16xf32>
      %add3A_115 = arith.addf %add3A_93, %mul3A_114 : vector<16xf32>
      %broadcast_in_dim3A_116 = arith.constant 5 : i32
      %broadcast_in_dim3A_117 = vector.broadcast %broadcast_in_dim3A_116 : i32 to vector<16xi32>
      %lt3A_118 = arith.constant 0 : i32
      %lt3A_119 = vector.broadcast %lt3A_118 : i32 to vector<16xi32>
      %lt3A_120 = arith.cmpi slt, %broadcast_in_dim3A_117, %lt3A_119 : vector<16xi32>
      %add3A_121 = arith.constant 16 : i32
      %add3A_122 = vector.broadcast %add3A_121 : i32 to vector<16xi32>
      %add3A_123 = arith.addi %broadcast_in_dim3A_117, %add3A_122 : vector<16xi32>
      %select_n3A_124 = arith.select %lt3A_120, %add3A_123, %broadcast_in_dim3A_117 : vector<16xi1>, vector<16xi32>
      %broadcast_in_dim3A_125 = vector.shape_cast %select_n3A_124 : vector<16xi32> to vector<16x1xi32>
      %gather3A_126 = vector.shape_cast %broadcast_in_dim3A_125 : vector<16x1xi32> to vector<16xi32>
      %gather3A_127 = tpu.dynamic_gather %get3A_5[%gather3A_126] in [0] : vector<16xf32>, vector<16xi32> -> vector<16xf32>
      %get3A_128 = arith.constant 256 : index
      %get3A_129 = tpu.vector_load %arg4[%get3A_128] {strides = array<i32>} : memref<1760xf32, #tpu.memory_space<vmem>>, vector<16xf32>,
      %get3A_130 = vector.shape_cast %get3A_129 : vector<16xf32> to vector<16xf32>
      %mul3A_131 = arith.mulf %gather3A_127, %get3A_130 : vector<16xf32>
      %add3A_132 = arith.addf %add3A_110, %mul3A_131 : vector<16xf32>
      %get3A_133 = arith.constant 272 : index
      %get3A_134 = tpu.vector_load %arg4[%get3A_133] {strides = array<i32>} : memref<1760xf32, #tpu.memory_space<vmem>>, vector<16xf32>,
      %get3A_135 = vector.shape_cast %get3A_134 : vector<16xf32> to vector<16xf32>
      %mul3A_136 = arith.mulf %gather3A_127, %get3A_135 : vector<16xf32>
      %add3A_137 = arith.addf %add3A_115, %mul3A_136 : vector<16xf32>
      %broadcast_in_dim3A_138 = arith.constant 6 : i32
      %broadcast_in_dim3A_139 = vector.broadcast %broadcast_in_dim3A_138 : i32 to vector<16xi32>
      %lt3A_140 = arith.constant 0 : i32
      %lt3A_141 = vector.broadcast %lt3A_140 : i32 to vector<16xi32>
      %lt3A_142 = arith.cmpi slt, %broadcast_in_dim3A_139, %lt3A_141 : vector<16xi32>
      %add3A_143 = arith.constant 16 : i32
      %add3A_144 = vector.broadcast %add3A_143 : i32 to vector<16xi32>
      %add3A_145 = arith.addi %broadcast_in_dim3A_139, %add3A_144 : vector<16xi32>
      %select_n3A_146 = arith.select %lt3A_142, %add3A_145, %broadcast_in_dim3A_139 : vector<16xi1>, vector<16xi32>
      %broadcast_in_dim3A_147 = vector.shape_cast %select_n3A_146 : vector<16xi32> to vector<16x1xi32>
      %gather3A_148 = vector.shape_cast %broadcast_in_dim3A_147 : vector<16x1xi32> to vector<16xi32>
      %gather3A_149 = tpu.dynamic_gather %get3A_5[%gather3A_148] in [0] : vector<16xf32>, vector<16xi32> -> vector<16xf32>
      %get3A_150 = arith.constant 288 : index
      %get3A_151 = tpu.vector_load %arg4[%get3A_150] {strides = array<i32>} : memref<1760xf32, #tpu.memory_space<vmem>>, vector<16xf32>,
      %get3A_152 = vector.shape_cast %get3A_151 : vector<16xf32> to vector<16xf32>
      %mul3A_153 = arith.mulf %gather3A_149, %get3A_152 : vector<16xf32>
      %add3A_154 = arith.addf %add3A_132, %mul3A_153 : vector<16xf32>
      %get3A_155 = arith.constant 304 : index
      %get3A_156 = tpu.vector_load %arg4[%get3A_155] {strides = array<i32>} : memref<1760xf32, #tpu.memory_space<vmem>>, vector<16xf32>,
      %get3A_157 = vector.shape_cast %get3A_156 : vector<16xf32> to vector<16xf32>
      %mul3A_158 = arith.mulf %gather3A_149, %get3A_157 : vector<16xf32>
      %add3A_159 = arith.addf %add3A_137, %mul3A_158 : vector<16xf32>
      %broadcast_in_dim3A_160 = arith.constant 7 : i32
      %broadcast_in_dim3A_161 = vector.broadcast %broadcast_in_dim3A_160 : i32 to vector<16xi32>
      %lt3A_162 = arith.constant 0 : i32
      %lt3A_163 = vector.broadcast %lt3A_162 : i32 to vector<16xi32>
      %lt3A_164 = arith.cmpi slt, %broadcast_in_dim3A_161, %lt3A_163 : vector<16xi32>
      %add3A_165 = arith.constant 16 : i32
      %add3A_166 = vector.broadcast %add3A_165 : i32 to vector<16xi32>
      %add3A_167 = arith.addi %broadcast_in_dim3A_161, %add3A_166 : vector<16xi32>
      %select_n3A_168 = arith.select %lt3A_164, %add3A_167, %broadcast_in_dim3A_161 : vector<16xi1>, vector<16xi32>
      %broadcast_in_dim3A_169 = vector.shape_cast %select_n3A_168 : vector<16xi32> to vector<16x1xi32>
      %gather3A_170 = vector.shape_cast %broadcast_in_dim3A_169 : vector<16x1xi32> to vector<16xi32>
      %gather3A_171 = tpu.dynamic_gather %get3A_5[%gather3A_170] in [0] : vector<16xf32>, vector<16xi32> -> vector<16xf32>
      %get3A_172 = arith.constant 320 : index
      %get3A_173 = tpu.vector_load %arg4[%get3A_172] {strides = array<i32>} : memref<1760xf32, #tpu.memory_space<vmem>>, vector<16xf32>,
      %get3A_174 = vector.shape_cast %get3A_173 : vector<16xf32> to vector<16xf32>
      %mul3A_175 = arith.mulf %gather3A_171, %get3A_174 : vector<16xf32>
      %add3A_176 = arith.addf %add3A_154, %mul3A_175 : vector<16xf32>
      %get3A_177 = arith.constant 336 : index
      %get3A_178 = tpu.vector_load %arg4[%get3A_177] {strides = array<i32>} : memref<1760xf32, #tpu.memory_space<vmem>>, vector<16xf32>,
      %get3A_179 = vector.shape_cast %get3A_178 : vector<16xf32> to vector<16xf32>
      %mul3A_180 = arith.mulf %gather3A_171, %get3A_179 : vector<16xf32>
      %add3A_181 = arith.addf %add3A_159, %mul3A_180 : vector<16xf32>
      %broadcast_in_dim3A_182 = arith.constant 8 : i32
      %broadcast_in_dim3A_183 = vector.broadcast %broadcast_in_dim3A_182 : i32 to vector<16xi32>
      %lt3A_184 = arith.constant 0 : i32
      %lt3A_185 = vector.broadcast %lt3A_184 : i32 to vector<16xi32>
      %lt3A_186 = arith.cmpi slt, %broadcast_in_dim3A_183, %lt3A_185 : vector<16xi32>
      %add3A_187 = arith.constant 16 : i32
      %add3A_188 = vector.broadcast %add3A_187 : i32 to vector<16xi32>
      %add3A_189 = arith.addi %broadcast_in_dim3A_183, %add3A_188 : vector<16xi32>
      %select_n3A_190 = arith.select %lt3A_186, %add3A_189, %broadcast_in_dim3A_183 : vector<16xi1>, vector<16xi32>
      %broadcast_in_dim3A_191 = vector.shape_cast %select_n3A_190 : vector<16xi32> to vector<16x1xi32>
      %gather3A_192 = vector.shape_cast %broadcast_in_dim3A_191 : vector<16x1xi32> to vector<16xi32>
      %gather3A_193 = tpu.dynamic_gather %get3A_5[%gather3A_192] in [0] : vector<16xf32>, vector<16xi32> -> vector<16xf32>
      %get3A_194 = arith.constant 352 : index
      %get3A_195 = tpu.vector_load %arg4[%get3A_194] {strides = array<i32>} : memref<1760xf32, #tpu.memory_space<vmem>>, vector<16xf32>,
      %get3A_196 = vector.shape_cast %get3A_195 : vector<16xf32> to vector<16xf32>
      %mul3A_197 = arith.mulf %gather3A_193, %get3A_196 : vector<16xf32>
      %add3A_198 = arith.addf %add3A_176, %mul3A_197 : vector<16xf32>
      %get3A_199 = arith.constant 368 : index
      %get3A_200 = tpu.vector_load %arg4[%get3A_199] {strides = array<i32>} : memref<1760xf32, #tpu.memory_space<vmem>>, vector<16xf32>,
      %get3A_201 = vector.shape_cast %get3A_200 : vector<16xf32> to vector<16xf32>
      %mul3A_202 = arith.mulf %gather3A_193, %get3A_201 : vector<16xf32>
      %add3A_203 = arith.addf %add3A_181, %mul3A_202 : vector<16xf32>
      %broadcast_in_dim3A_204 = arith.constant 9 : i32
      %broadcast_in_dim3A_205 = vector.broadcast %broadcast_in_dim3A_204 : i32 to vector<16xi32>
      %lt3A_206 = arith.constant 0 : i32
      %lt3A_207 = vector.broadcast %lt3A_206 : i32 to vector<16xi32>
      %lt3A_208 = arith.cmpi slt, %broadcast_in_dim3A_205, %lt3A_207 : vector<16xi32>
      %add3A_209 = arith.constant 16 : i32
      %add3A_210 = vector.broadcast %add3A_209 : i32 to vector<16xi32>
      %add3A_211 = arith.addi %broadcast_in_dim3A_205, %add3A_210 : vector<16xi32>
      %select_n3A_212 = arith.select %lt3A_208, %add3A_211, %broadcast_in_dim3A_205 : vector<16xi1>, vector<16xi32>
      %broadcast_in_dim3A_213 = vector.shape_cast %select_n3A_212 : vector<16xi32> to vector<16x1xi32>
      %gather3A_214 = vector.shape_cast %broadcast_in_dim3A_213 : vector<16x1xi32> to vector<16xi32>
      %gather3A_215 = tpu.dynamic_gather %get3A_5[%gather3A_214] in [0] : vector<16xf32>, vector<16xi32> -> vector<16xf32>
      %get3A_216 = arith.constant 384 : index
      %get3A_217 = tpu.vector_load %arg4[%get3A_216] {strides = array<i32>} : memref<1760xf32, #tpu.memory_space<vmem>>, vector<16xf32>,
      %get3A_218 = vector.shape_cast %get3A_217 : vector<16xf32> to vector<16xf32>
      %mul3A_219 = arith.mulf %gather3A_215, %get3A_218 : vector<16xf32>
      %add3A_220 = arith.addf %add3A_198, %mul3A_219 : vector<16xf32>
      %get3A_221 = arith.constant 400 : index
      %get3A_222 = tpu.vector_load %arg4[%get3A_221] {strides = array<i32>} : memref<1760xf32, #tpu.memory_space<vmem>>, vector<16xf32>,
      %get3A_223 = vector.shape_cast %get3A_222 : vector<16xf32> to vector<16xf32>
      %mul3A_224 = arith.mulf %gather3A_215, %get3A_223 : vector<16xf32>
      %add3A_225 = arith.addf %add3A_203, %mul3A_224 : vector<16xf32>
      %broadcast_in_dim3A_226 = arith.constant 10 : i32
      %broadcast_in_dim3A_227 = vector.broadcast %broadcast_in_dim3A_226 : i32 to vector<16xi32>
      %lt3A_228 = arith.constant 0 : i32
      %lt3A_229 = vector.broadcast %lt3A_228 : i32 to vector<16xi32>
      %lt3A_230 = arith.cmpi slt, %broadcast_in_dim3A_227, %lt3A_229 : vector<16xi32>
      %add3A_231 = arith.constant 16 : i32
      %add3A_232 = vector.broadcast %add3A_231 : i32 to vector<16xi32>
      %add3A_233 = arith.addi %broadcast_in_dim3A_227, %add3A_232 : vector<16xi32>
      %select_n3A_234 = arith.select %lt3A_230, %add3A_233, %broadcast_in_dim3A_227 : vector<16xi1>, vector<16xi32>
      %broadcast_in_dim3A_235 = vector.shape_cast %select_n3A_234 : vector<16xi32> to vector<16x1xi32>
      %gather3A_236 = vector.shape_cast %broadcast_in_dim3A_235 : vector<16x1xi32> to vector<16xi32>
      %gather3A_237 = tpu.dynamic_gather %get3A_5[%gather3A_236] in [0] : vector<16xf32>, vector<16xi32> -> vector<16xf32>
      %get3A_238 = arith.constant 416 : index
      %get3A_239 = tpu.vector_load %arg4[%get3A_238] {strides = array<i32>} : memref<1760xf32, #tpu.memory_space<vmem>>, vector<16xf32>,
      %get3A_240 = vector.shape_cast %get3A_239 : vector<16xf32> to vector<16xf32>
      %mul3A_241 = arith.mulf %gather3A_237, %get3A_240 : vector<16xf32>
      %add3A_242 = arith.addf %add3A_220, %mul3A_241 : vector<16xf32>
      %get3A_243 = arith.constant 432 : index
      %get3A_244 = tpu.vector_load %arg4[%get3A_243] {strides = array<i32>} : memref<1760xf32, #tpu.memory_space<vmem>>, vector<16xf32>,
      %get3A_245 = vector.shape_cast %get3A_244 : vector<16xf32> to vector<16xf32>
      %mul3A_246 = arith.mulf %gather3A_237, %get3A_245 : vector<16xf32>
      %add3A_247 = arith.addf %add3A_225, %mul3A_246 : vector<16xf32>
      %broadcast_in_dim3A_248 = arith.constant 11 : i32
      %broadcast_in_dim3A_249 = vector.broadcast %broadcast_in_dim3A_248 : i32 to vector<16xi32>
      %lt3A_250 = arith.constant 0 : i32
      %lt3A_251 = vector.broadcast %lt3A_250 : i32 to vector<16xi32>
      %lt3A_252 = arith.cmpi slt, %broadcast_in_dim3A_249, %lt3A_251 : vector<16xi32>
      %add3A_253 = arith.constant 16 : i32
      %add3A_254 = vector.broadcast %add3A_253 : i32 to vector<16xi32>
      %add3A_255 = arith.addi %broadcast_in_dim3A_249, %add3A_254 : vector<16xi32>
      %select_n3A_256 = arith.select %lt3A_252, %add3A_255, %broadcast_in_dim3A_249 : vector<16xi1>, vector<16xi32>
      %broadcast_in_dim3A_257 = vector.shape_cast %select_n3A_256 : vector<16xi32> to vector<16x1xi32>
      %gather3A_258 = vector.shape_cast %broadcast_in_dim3A_257 : vector<16x1xi32> to vector<16xi32>
      %gather3A_259 = tpu.dynamic_gather %get3A_5[%gather3A_258] in [0] : vector<16xf32>, vector<16xi32> -> vector<16xf32>
      %get3A_260 = arith.constant 448 : index
      %get3A_261 = tpu.vector_load %arg4[%get3A_260] {strides = array<i32>} : memref<1760xf32, #tpu.memory_space<vmem>>, vector<16xf32>,
      %get3A_262 = vector.shape_cast %get3A_261 : vector<16xf32> to vector<16xf32>
      %mul3A_263 = arith.mulf %gather3A_259, %get3A_262 : vector<16xf32>
      %add3A_264 = arith.addf %add3A_242, %mul3A_263 : vector<16xf32>
      %get3A_265 = arith.constant 464 : index
      %get3A_266 = tpu.vector_load %arg4[%get3A_265] {strides = array<i32>} : memref<1760xf32, #tpu.memory_space<vmem>>, vector<16xf32>,
      %get3A_267 = vector.shape_cast %get3A_266 : vector<16xf32> to vector<16xf32>
      %mul3A_268 = arith.mulf %gather3A_259, %get3A_267 : vector<16xf32>
      %add3A_269 = arith.addf %add3A_247, %mul3A_268 : vector<16xf32>
      %broadcast_in_dim3A_270 = arith.constant 12 : i32
      %broadcast_in_dim3A_271 = vector.broadcast %broadcast_in_dim3A_270 : i32 to vector<16xi32>
      %lt3A_272 = arith.constant 0 : i32
      %lt3A_273 = vector.broadcast %lt3A_272 : i32 to vector<16xi32>
      %lt3A_274 = arith.cmpi slt, %broadcast_in_dim3A_271, %lt3A_273 : vector<16xi32>
      %add3A_275 = arith.constant 16 : i32
      %add3A_276 = vector.broadcast %add3A_275 : i32 to vector<16xi32>
      %add3A_277 = arith.addi %broadcast_in_dim3A_271, %add3A_276 : vector<16xi32>
      %select_n3A_278 = arith.select %lt3A_274, %add3A_277, %broadcast_in_dim3A_271 : vector<16xi1>, vector<16xi32>
      %broadcast_in_dim3A_279 = vector.shape_cast %select_n3A_278 : vector<16xi32> to vector<16x1xi32>
      %gather3A_280 = vector.shape_cast %broadcast_in_dim3A_279 : vector<16x1xi32> to vector<16xi32>
      %gather3A_281 = tpu.dynamic_gather %get3A_5[%gather3A_280] in [0] : vector<16xf32>, vector<16xi32> -> vector<16xf32>
      %get3A_282 = arith.constant 480 : index
      %get3A_283 = tpu.vector_load %arg4[%get3A_282] {strides = array<i32>} : memref<1760xf32, #tpu.memory_space<vmem>>, vector<16xf32>,
      %get3A_284 = vector.shape_cast %get3A_283 : vector<16xf32> to vector<16xf32>
      %mul3A_285 = arith.mulf %gather3A_281, %get3A_284 : vector<16xf32>
      %add3A_286 = arith.addf %add3A_264, %mul3A_285 : vector<16xf32>
      %get3A_287 = arith.constant 496 : index
      %get3A_288 = tpu.vector_load %arg4[%get3A_287] {strides = array<i32>} : memref<1760xf32, #tpu.memory_space<vmem>>, vector<16xf32>,
      %get3A_289 = vector.shape_cast %get3A_288 : vector<16xf32> to vector<16xf32>
      %mul3A_290 = arith.mulf %gather3A_281, %get3A_289 : vector<16xf32>
      %add3A_291 = arith.addf %add3A_269, %mul3A_290 : vector<16xf32>
      %broadcast_in_dim3A_292 = arith.constant 13 : i32
      %broadcast_in_dim3A_293 = vector.broadcast %broadcast_in_dim3A_292 : i32 to vector<16xi32>
      %lt3A_294 = arith.constant 0 : i32
      %lt3A_295 = vector.broadcast %lt3A_294 : i32 to vector<16xi32>
      %lt3A_296 = arith.cmpi slt, %broadcast_in_dim3A_293, %lt3A_295 : vector<16xi32>
      %add3A_297 = arith.constant 16 : i32
      %add3A_298 = vector.broadcast %add3A_297 : i32 to vector<16xi32>
      %add3A_299 = arith.addi %broadcast_in_dim3A_293, %add3A_298 : vector<16xi32>
      %select_n3A_300 = arith.select %lt3A_296, %add3A_299, %broadcast_in_dim3A_293 : vector<16xi1>, vector<16xi32>
      %broadcast_in_dim3A_301 = vector.shape_cast %select_n3A_300 : vector<16xi32> to vector<16x1xi32>
      %gather3A_302 = vector.shape_cast %broadcast_in_dim3A_301 : vector<16x1xi32> to vector<16xi32>
      %gather3A_303 = tpu.dynamic_gather %get3A_5[%gather3A_302] in [0] : vector<16xf32>, vector<16xi32> -> vector<16xf32>
      %get3A_304 = arith.constant 512 : index
      %get3A_305 = tpu.vector_load %arg4[%get3A_304] {strides = array<i32>} : memref<1760xf32, #tpu.memory_space<vmem>>, vector<16xf32>,
      %get3A_306 = vector.shape_cast %get3A_305 : vector<16xf32> to vector<16xf32>
      %mul3A_307 = arith.mulf %gather3A_303, %get3A_306 : vector<16xf32>
      %add3A_308 = arith.addf %add3A_286, %mul3A_307 : vector<16xf32>
      %get3A_309 = arith.constant 528 : index
      %get3A_310 = tpu.vector_load %arg4[%get3A_309] {strides = array<i32>} : memref<1760xf32, #tpu.memory_space<vmem>>, vector<16xf32>,
      %get3A_311 = vector.shape_cast %get3A_310 : vector<16xf32> to vector<16xf32>
      %mul3A_312 = arith.mulf %gather3A_303, %get3A_311 : vector<16xf32>
      %add3A_313 = arith.addf %add3A_291, %mul3A_312 : vector<16xf32>
      %broadcast_in_dim3A_314 = arith.constant 14 : i32
      %broadcast_in_dim3A_315 = vector.broadcast %broadcast_in_dim3A_314 : i32 to vector<16xi32>
      %lt3A_316 = arith.constant 0 : i32
      %lt3A_317 = vector.broadcast %lt3A_316 : i32 to vector<16xi32>
      %lt3A_318 = arith.cmpi slt, %broadcast_in_dim3A_315, %lt3A_317 : vector<16xi32>
      %add3A_319 = arith.constant 16 : i32
      %add3A_320 = vector.broadcast %add3A_319 : i32 to vector<16xi32>
      %add3A_321 = arith.addi %broadcast_in_dim3A_315, %add3A_320 : vector<16xi32>
      %select_n3A_322 = arith.select %lt3A_318, %add3A_321, %broadcast_in_dim3A_315 : vector<16xi1>, vector<16xi32>
      %broadcast_in_dim3A_323 = vector.shape_cast %select_n3A_322 : vector<16xi32> to vector<16x1xi32>
      %gather3A_324 = vector.shape_cast %broadcast_in_dim3A_323 : vector<16x1xi32> to vector<16xi32>
      %gather3A_325 = tpu.dynamic_gather %get3A_5[%gather3A_324] in [0] : vector<16xf32>, vector<16xi32> -> vector<16xf32>
      %get3A_326 = arith.constant 544 : index
      %get3A_327 = tpu.vector_load %arg4[%get3A_326] {strides = array<i32>} : memref<1760xf32, #tpu.memory_space<vmem>>, vector<16xf32>,
      %get3A_328 = vector.shape_cast %get3A_327 : vector<16xf32> to vector<16xf32>
      %mul3A_329 = arith.mulf %gather3A_325, %get3A_328 : vector<16xf32>
      %add3A_330 = arith.addf %add3A_308, %mul3A_329 : vector<16xf32>
      %get3A_331 = arith.constant 560 : index
      %get3A_332 = tpu.vector_load %arg4[%get3A_331] {strides = array<i32>} : memref<1760xf32, #tpu.memory_space<vmem>>, vector<16xf32>,
      %get3A_333 = vector.shape_cast %get3A_332 : vector<16xf32> to vector<16xf32>
      %mul3A_334 = arith.mulf %gather3A_325, %get3A_333 : vector<16xf32>
      %add3A_335 = arith.addf %add3A_313, %mul3A_334 : vector<16xf32>
      %broadcast_in_dim3A_336 = arith.constant 15 : i32
      %broadcast_in_dim3A_337 = vector.broadcast %broadcast_in_dim3A_336 : i32 to vector<16xi32>
      %lt3A_338 = arith.constant 0 : i32
      %lt3A_339 = vector.broadcast %lt3A_338 : i32 to vector<16xi32>
      %lt3A_340 = arith.cmpi slt, %broadcast_in_dim3A_337, %lt3A_339 : vector<16xi32>
      %add3A_341 = arith.constant 16 : i32
      %add3A_342 = vector.broadcast %add3A_341 : i32 to vector<16xi32>
      %add3A_343 = arith.addi %broadcast_in_dim3A_337, %add3A_342 : vector<16xi32>
      %select_n3A_344 = arith.select %lt3A_340, %add3A_343, %broadcast_in_dim3A_337 : vector<16xi1>, vector<16xi32>
      %broadcast_in_dim3A_345 = vector.shape_cast %select_n3A_344 : vector<16xi32> to vector<16x1xi32>
      %gather3A_346 = vector.shape_cast %broadcast_in_dim3A_345 : vector<16x1xi32> to vector<16xi32>
      %gather3A_347 = tpu.dynamic_gather %get3A_5[%gather3A_346] in [0] : vector<16xf32>, vector<16xi32> -> vector<16xf32>
      %get3A_348 = arith.constant 576 : index
      %get3A_349 = tpu.vector_load %arg4[%get3A_348] {strides = array<i32>} : memref<1760xf32, #tpu.memory_space<vmem>>, vector<16xf32>,
      %get3A_350 = vector.shape_cast %get3A_349 : vector<16xf32> to vector<16xf32>
      %mul3A_351 = arith.mulf %gather3A_347, %get3A_350 : vector<16xf32>
      %add3A_352 = arith.addf %add3A_330, %mul3A_351 : vector<16xf32>
      %get3A_353 = arith.constant 592 : index
      %get3A_354 = tpu.vector_load %arg4[%get3A_353] {strides = array<i32>} : memref<1760xf32, #tpu.memory_space<vmem>>, vector<16xf32>,
      %get3A_355 = vector.shape_cast %get3A_354 : vector<16xf32> to vector<16xf32>
      %mul3A_356 = arith.mulf %gather3A_347, %get3A_355 : vector<16xf32>
      %add3A_357 = arith.addf %add3A_335, %mul3A_356 : vector<16xf32>
      %neg3A = arith.constant 0.000000e+00 : f32
      %neg3A_358 = vector.broadcast %neg3A : f32 to vector<16xf32>
      %neg3A_359 = arith.subf %neg3A_358, %add3A_352 : vector<16xf32>
      %exp3A = math.exp %neg3A_359 : vector<16xf32>
      %add3A_360 = arith.constant 1.000000e+00 : f32
      %add3A_361 = vector.broadcast %add3A_360 : f32 to vector<16xf32>
      %add3A_362 = arith.addf %add3A_361, %exp3A : vector<16xf32>
      %div3A = arith.divf %add3A_352, %add3A_362 : vector<16xf32>
      %neg3A_363 = arith.constant 0.000000e+00 : f32
      %neg3A_364 = vector.broadcast %neg3A_363 : f32 to vector<16xf32>
      %neg3A_365 = arith.subf %neg3A_364, %add3A_357 : vector<16xf32>
      %exp3A_366 = math.exp %neg3A_365 : vector<16xf32>
      %add3A_367 = arith.constant 1.000000e+00 : f32
      %add3A_368 = vector.broadcast %add3A_367 : f32 to vector<16xf32>
      %add3A_369 = arith.addf %add3A_368, %exp3A_366 : vector<16xf32>
      %div3A_370 = arith.divf %add3A_357, %add3A_369 : vector<16xf32>
      %get3A_371 = arith.constant 48 : index
      %get3A_372 = tpu.vector_load %arg4[%get3A_371] {strides = array<i32>} : memref<1760xf32, #tpu.memory_space<vmem>>, vector<16xf32>,
      %get3A_373 = vector.shape_cast %get3A_372 : vector<16xf32> to vector<16xf32>
      %get3A_374 = arith.constant 64 : index
      %get3A_375 = tpu.vector_load %arg4[%get3A_374] {strides = array<i32>} : memref<1760xf32, #tpu.memory_space<vmem>>, vector<16xf32>,
      %get3A_376 = vector.shape_cast %get3A_375 : vector<16xf32> to vector<16xf32>
      %broadcast_in_dim3A_377 = arith.constant 0 : i32
      %broadcast_in_dim3A_378 = vector.broadcast %broadcast_in_dim3A_377 : i32 to vector<16xi32>
      %lt3A_379 = arith.constant 0 : i32
      %lt3A_380 = vector.broadcast %lt3A_379 : i32 to vector<16xi32>
      %lt3A_381 = arith.cmpi slt, %broadcast_in_dim3A_378, %lt3A_380 : vector<16xi32>
      %add3A_382 = arith.constant 16 : i32
      %add3A_383 = vector.broadcast %add3A_382 : i32 to vector<16xi32>
      %add3A_384 = arith.addi %broadcast_in_dim3A_378, %add3A_383 : vector<16xi32>
      %select_n3A_385 = arith.select %lt3A_381, %add3A_384, %broadcast_in_dim3A_378 : vector<16xi1>, vector<16xi32>
      %broadcast_in_dim3A_386 = vector.shape_cast %select_n3A_385 : vector<16xi32> to vector<16x1xi32>
      %gather3A_387 = vector.shape_cast %broadcast_in_dim3A_386 : vector<16x1xi32> to vector<16xi32>
      %gather3A_388 = tpu.dynamic_gather %div3A[%gather3A_387] in [0] : vector<16xf32>, vector<16xi32> -> vector<16xf32>
      %get3A_389 = arith.constant 608 : index
      %get3A_390 = tpu.vector_load %arg4[%get3A_389] {strides = array<i32>} : memref<1760xf32, #tpu.memory_space<vmem>>, vector<16xf32>,
      %get3A_391 = vector.shape_cast %get3A_390 : vector<16xf32> to vector<16xf32>
      %mul3A_392 = arith.mulf %gather3A_388, %get3A_391 : vector<16xf32>
      %add3A_393 = arith.addf %get3A_373, %mul3A_392 : vector<16xf32>
      %get3A_394 = arith.constant 624 : index
      %get3A_395 = tpu.vector_load %arg4[%get3A_394] {strides = array<i32>} : memref<1760xf32, #tpu.memory_space<vmem>>, vector<16xf32>,
      %get3A_396 = vector.shape_cast %get3A_395 : vector<16xf32> to vector<16xf32>
      %mul3A_397 = arith.mulf %gather3A_388, %get3A_396 : vector<16xf32>
      %add3A_398 = arith.addf %get3A_376, %mul3A_397 : vector<16xf32>
      %broadcast_in_dim3A_399 = arith.constant 1 : i32
      %broadcast_in_dim3A_400 = vector.broadcast %broadcast_in_dim3A_399 : i32 to vector<16xi32>
      %lt3A_401 = arith.constant 0 : i32
      %lt3A_402 = vector.broadcast %lt3A_401 : i32 to vector<16xi32>
      %lt3A_403 = arith.cmpi slt, %broadcast_in_dim3A_400, %lt3A_402 : vector<16xi32>
      %add3A_404 = arith.constant 16 : i32
      %add3A_405 = vector.broadcast %add3A_404 : i32 to vector<16xi32>
      %add3A_406 = arith.addi %broadcast_in_dim3A_400, %add3A_405 : vector<16xi32>
      %select_n3A_407 = arith.select %lt3A_403, %add3A_406, %broadcast_in_dim3A_400 : vector<16xi1>, vector<16xi32>
      %broadcast_in_dim3A_408 = vector.shape_cast %select_n3A_407 : vector<16xi32> to vector<16x1xi32>
      %gather3A_409 = vector.shape_cast %broadcast_in_dim3A_408 : vector<16x1xi32> to vector<16xi32>
      %gather3A_410 = tpu.dynamic_gather %div3A[%gather3A_409] in [0] : vector<16xf32>, vector<16xi32> -> vector<16xf32>
      %get3A_411 = arith.constant 640 : index
      %get3A_412 = tpu.vector_load %arg4[%get3A_411] {strides = array<i32>} : memref<1760xf32, #tpu.memory_space<vmem>>, vector<16xf32>,
      %get3A_413 = vector.shape_cast %get3A_412 : vector<16xf32> to vector<16xf32>
      %mul3A_414 = arith.mulf %gather3A_410, %get3A_413 : vector<16xf32>
      %add3A_415 = arith.addf %add3A_393, %mul3A_414 : vector<16xf32>
      %get3A_416 = arith.constant 656 : index
      %get3A_417 = tpu.vector_load %arg4[%get3A_416] {strides = array<i32>} : memref<1760xf32, #tpu.memory_space<vmem>>, vector<16xf32>,
      %get3A_418 = vector.shape_cast %get3A_417 : vector<16xf32> to vector<16xf32>
      %mul3A_419 = arith.mulf %gather3A_410, %get3A_418 : vector<16xf32>
      %add3A_420 = arith.addf %add3A_398, %mul3A_419 : vector<16xf32>
      %broadcast_in_dim3A_421 = arith.constant 2 : i32
      %broadcast_in_dim3A_422 = vector.broadcast %broadcast_in_dim3A_421 : i32 to vector<16xi32>
      %lt3A_423 = arith.constant 0 : i32
      %lt3A_424 = vector.broadcast %lt3A_423 : i32 to vector<16xi32>
      %lt3A_425 = arith.cmpi slt, %broadcast_in_dim3A_422, %lt3A_424 : vector<16xi32>
      %add3A_426 = arith.constant 16 : i32
      %add3A_427 = vector.broadcast %add3A_426 : i32 to vector<16xi32>
      %add3A_428 = arith.addi %broadcast_in_dim3A_422, %add3A_427 : vector<16xi32>
      %select_n3A_429 = arith.select %lt3A_425, %add3A_428, %broadcast_in_dim3A_422 : vector<16xi1>, vector<16xi32>
      %broadcast_in_dim3A_430 = vector.shape_cast %select_n3A_429 : vector<16xi32> to vector<16x1xi32>
      %gather3A_431 = vector.shape_cast %broadcast_in_dim3A_430 : vector<16x1xi32> to vector<16xi32>
      %gather3A_432 = tpu.dynamic_gather %div3A[%gather3A_431] in [0] : vector<16xf32>, vector<16xi32> -> vector<16xf32>
      %get3A_433 = arith.constant 672 : index
      %get3A_434 = tpu.vector_load %arg4[%get3A_433] {strides = array<i32>} : memref<1760xf32, #tpu.memory_space<vmem>>, vector<16xf32>,
      %get3A_435 = vector.shape_cast %get3A_434 : vector<16xf32> to vector<16xf32>
      %mul3A_436 = arith.mulf %gather3A_432, %get3A_435 : vector<16xf32>
      %add3A_437 = arith.addf %add3A_415, %mul3A_436 : vector<16xf32>
      %get3A_438 = arith.constant 688 : index
      %get3A_439 = tpu.vector_load %arg4[%get3A_438] {strides = array<i32>} : memref<1760xf32, #tpu.memory_space<vmem>>, vector<16xf32>,
      %get3A_440 = vector.shape_cast %get3A_439 : vector<16xf32> to vector<16xf32>
      %mul3A_441 = arith.mulf %gather3A_432, %get3A_440 : vector<16xf32>
      %add3A_442 = arith.addf %add3A_420, %mul3A_441 : vector<16xf32>
      %broadcast_in_dim3A_443 = arith.constant 3 : i32
      %broadcast_in_dim3A_444 = vector.broadcast %broadcast_in_dim3A_443 : i32 to vector<16xi32>
      %lt3A_445 = arith.constant 0 : i32
      %lt3A_446 = vector.broadcast %lt3A_445 : i32 to vector<16xi32>
      %lt3A_447 = arith.cmpi slt, %broadcast_in_dim3A_444, %lt3A_446 : vector<16xi32>
      %add3A_448 = arith.constant 16 : i32
      %add3A_449 = vector.broadcast %add3A_448 : i32 to vector<16xi32>
      %add3A_450 = arith.addi %broadcast_in_dim3A_444, %add3A_449 : vector<16xi32>
      %select_n3A_451 = arith.select %lt3A_447, %add3A_450, %broadcast_in_dim3A_444 : vector<16xi1>, vector<16xi32>
      %broadcast_in_dim3A_452 = vector.shape_cast %select_n3A_451 : vector<16xi32> to vector<16x1xi32>
      %gather3A_453 = vector.shape_cast %broadcast_in_dim3A_452 : vector<16x1xi32> to vector<16xi32>
      %gather3A_454 = tpu.dynamic_gather %div3A[%gather3A_453] in [0] : vector<16xf32>, vector<16xi32> -> vector<16xf32>
      %get3A_455 = arith.constant 704 : index
      %get3A_456 = tpu.vector_load %arg4[%get3A_455] {strides = array<i32>} : memref<1760xf32, #tpu.memory_space<vmem>>, vector<16xf32>,
      %get3A_457 = vector.shape_cast %get3A_456 : vector<16xf32> to vector<16xf32>
      %mul3A_458 = arith.mulf %gather3A_454, %get3A_457 : vector<16xf32>
      %add3A_459 = arith.addf %add3A_437, %mul3A_458 : vector<16xf32>
      %get3A_460 = arith.constant 720 : index
      %get3A_461 = tpu.vector_load %arg4[%get3A_460] {strides = array<i32>} : memref<1760xf32, #tpu.memory_space<vmem>>, vector<16xf32>,
      %get3A_462 = vector.shape_cast %get3A_461 : vector<16xf32> to vector<16xf32>
      %mul3A_463 = arith.mulf %gather3A_454, %get3A_462 : vector<16xf32>
      %add3A_464 = arith.addf %add3A_442, %mul3A_463 : vector<16xf32>
      %broadcast_in_dim3A_465 = arith.constant 4 : i32
      %broadcast_in_dim3A_466 = vector.broadcast %broadcast_in_dim3A_465 : i32 to vector<16xi32>
      %lt3A_467 = arith.constant 0 : i32
      %lt3A_468 = vector.broadcast %lt3A_467 : i32 to vector<16xi32>
      %lt3A_469 = arith.cmpi slt, %broadcast_in_dim3A_466, %lt3A_468 : vector<16xi32>
      %add3A_470 = arith.constant 16 : i32
      %add3A_471 = vector.broadcast %add3A_470 : i32 to vector<16xi32>
      %add3A_472 = arith.addi %broadcast_in_dim3A_466, %add3A_471 : vector<16xi32>
      %select_n3A_473 = arith.select %lt3A_469, %add3A_472, %broadcast_in_dim3A_466 : vector<16xi1>, vector<16xi32>
      %broadcast_in_dim3A_474 = vector.shape_cast %select_n3A_473 : vector<16xi32> to vector<16x1xi32>
      %gather3A_475 = vector.shape_cast %broadcast_in_dim3A_474 : vector<16x1xi32> to vector<16xi32>
      %gather3A_476 = tpu.dynamic_gather %div3A[%gather3A_475] in [0] : vector<16xf32>, vector<16xi32> -> vector<16xf32>
      %get3A_477 = arith.constant 736 : index
      %get3A_478 = tpu.vector_load %arg4[%get3A_477] {strides = array<i32>} : memref<1760xf32, #tpu.memory_space<vmem>>, vector<16xf32>,
      %get3A_479 = vector.shape_cast %get3A_478 : vector<16xf32> to vector<16xf32>
      %mul3A_480 = arith.mulf %gather3A_476, %get3A_479 : vector<16xf32>
      %add3A_481 = arith.addf %add3A_459, %mul3A_480 : vector<16xf32>
      %get3A_482 = arith.constant 752 : index
      %get3A_483 = tpu.vector_load %arg4[%get3A_482] {strides = array<i32>} : memref<1760xf32, #tpu.memory_space<vmem>>, vector<16xf32>,
      %get3A_484 = vector.shape_cast %get3A_483 : vector<16xf32> to vector<16xf32>
      %mul3A_485 = arith.mulf %gather3A_476, %get3A_484 : vector<16xf32>
      %add3A_486 = arith.addf %add3A_464, %mul3A_485 : vector<16xf32>
      %broadcast_in_dim3A_487 = arith.constant 5 : i32
      %broadcast_in_dim3A_488 = vector.broadcast %broadcast_in_dim3A_487 : i32 to vector<16xi32>
      %lt3A_489 = arith.constant 0 : i32
      %lt3A_490 = vector.broadcast %lt3A_489 : i32 to vector<16xi32>
      %lt3A_491 = arith.cmpi slt, %broadcast_in_dim3A_488, %lt3A_490 : vector<16xi32>
      %add3A_492 = arith.constant 16 : i32
      %add3A_493 = vector.broadcast %add3A_492 : i32 to vector<16xi32>
      %add3A_494 = arith.addi %broadcast_in_dim3A_488, %add3A_493 : vector<16xi32>
      %select_n3A_495 = arith.select %lt3A_491, %add3A_494, %broadcast_in_dim3A_488 : vector<16xi1>, vector<16xi32>
      %broadcast_in_dim3A_496 = vector.shape_cast %select_n3A_495 : vector<16xi32> to vector<16x1xi32>
      %gather3A_497 = vector.shape_cast %broadcast_in_dim3A_496 : vector<16x1xi32> to vector<16xi32>
      %gather3A_498 = tpu.dynamic_gather %div3A[%gather3A_497] in [0] : vector<16xf32>, vector<16xi32> -> vector<16xf32>
      %get3A_499 = arith.constant 768 : index
      %get3A_500 = tpu.vector_load %arg4[%get3A_499] {strides = array<i32>} : memref<1760xf32, #tpu.memory_space<vmem>>, vector<16xf32>,
      %get3A_501 = vector.shape_cast %get3A_500 : vector<16xf32> to vector<16xf32>
      %mul3A_502 = arith.mulf %gather3A_498, %get3A_501 : vector<16xf32>
      %add3A_503 = arith.addf %add3A_481, %mul3A_502 : vector<16xf32>
      %get3A_504 = arith.constant 784 : index
      %get3A_505 = tpu.vector_load %arg4[%get3A_504] {strides = array<i32>} : memref<1760xf32, #tpu.memory_space<vmem>>, vector<16xf32>,
      %get3A_506 = vector.shape_cast %get3A_505 : vector<16xf32> to vector<16xf32>
      %mul3A_507 = arith.mulf %gather3A_498, %get3A_506 : vector<16xf32>
      %add3A_508 = arith.addf %add3A_486, %mul3A_507 : vector<16xf32>
      %broadcast_in_dim3A_509 = arith.constant 6 : i32
      %broadcast_in_dim3A_510 = vector.broadcast %broadcast_in_dim3A_509 : i32 to vector<16xi32>
      %lt3A_511 = arith.constant 0 : i32
      %lt3A_512 = vector.broadcast %lt3A_511 : i32 to vector<16xi32>
      %lt3A_513 = arith.cmpi slt, %broadcast_in_dim3A_510, %lt3A_512 : vector<16xi32>
      %add3A_514 = arith.constant 16 : i32
      %add3A_515 = vector.broadcast %add3A_514 : i32 to vector<16xi32>
      %add3A_516 = arith.addi %broadcast_in_dim3A_510, %add3A_515 : vector<16xi32>
      %select_n3A_517 = arith.select %lt3A_513, %add3A_516, %broadcast_in_dim3A_510 : vector<16xi1>, vector<16xi32>
      %broadcast_in_dim3A_518 = vector.shape_cast %select_n3A_517 : vector<16xi32> to vector<16x1xi32>
      %gather3A_519 = vector.shape_cast %broadcast_in_dim3A_518 : vector<16x1xi32> to vector<16xi32>
      %gather3A_520 = tpu.dynamic_gather %div3A[%gather3A_519] in [0] : vector<16xf32>, vector<16xi32> -> vector<16xf32>
      %get3A_521 = arith.constant 800 : index
      %get3A_522 = tpu.vector_load %arg4[%get3A_521] {strides = array<i32>} : memref<1760xf32, #tpu.memory_space<vmem>>, vector<16xf32>,
      %get3A_523 = vector.shape_cast %get3A_522 : vector<16xf32> to vector<16xf32>
      %mul3A_524 = arith.mulf %gather3A_520, %get3A_523 : vector<16xf32>
      %add3A_525 = arith.addf %add3A_503, %mul3A_524 : vector<16xf32>
      %get3A_526 = arith.constant 816 : index
      %get3A_527 = tpu.vector_load %arg4[%get3A_526] {strides = array<i32>} : memref<1760xf32, #tpu.memory_space<vmem>>, vector<16xf32>,
      %get3A_528 = vector.shape_cast %get3A_527 : vector<16xf32> to vector<16xf32>
      %mul3A_529 = arith.mulf %gather3A_520, %get3A_528 : vector<16xf32>
      %add3A_530 = arith.addf %add3A_508, %mul3A_529 : vector<16xf32>
      %broadcast_in_dim3A_531 = arith.constant 7 : i32
      %broadcast_in_dim3A_532 = vector.broadcast %broadcast_in_dim3A_531 : i32 to vector<16xi32>
      %lt3A_533 = arith.constant 0 : i32
      %lt3A_534 = vector.broadcast %lt3A_533 : i32 to vector<16xi32>
      %lt3A_535 = arith.cmpi slt, %broadcast_in_dim3A_532, %lt3A_534 : vector<16xi32>
      %add3A_536 = arith.constant 16 : i32
      %add3A_537 = vector.broadcast %add3A_536 : i32 to vector<16xi32>
      %add3A_538 = arith.addi %broadcast_in_dim3A_532, %add3A_537 : vector<16xi32>
      %select_n3A_539 = arith.select %lt3A_535, %add3A_538, %broadcast_in_dim3A_532 : vector<16xi1>, vector<16xi32>
      %broadcast_in_dim3A_540 = vector.shape_cast %select_n3A_539 : vector<16xi32> to vector<16x1xi32>
      %gather3A_541 = vector.shape_cast %broadcast_in_dim3A_540 : vector<16x1xi32> to vector<16xi32>
      %gather3A_542 = tpu.dynamic_gather %div3A[%gather3A_541] in [0] : vector<16xf32>, vector<16xi32> -> vector<16xf32>
      %get3A_543 = arith.constant 832 : index
      %get3A_544 = tpu.vector_load %arg4[%get3A_543] {strides = array<i32>} : memref<1760xf32, #tpu.memory_space<vmem>>, vector<16xf32>,
      %get3A_545 = vector.shape_cast %get3A_544 : vector<16xf32> to vector<16xf32>
      %mul3A_546 = arith.mulf %gather3A_542, %get3A_545 : vector<16xf32>
      %add3A_547 = arith.addf %add3A_525, %mul3A_546 : vector<16xf32>
      %get3A_548 = arith.constant 848 : index
      %get3A_549 = tpu.vector_load %arg4[%get3A_548] {strides = array<i32>} : memref<1760xf32, #tpu.memory_space<vmem>>, vector<16xf32>,
      %get3A_550 = vector.shape_cast %get3A_549 : vector<16xf32> to vector<16xf32>
      %mul3A_551 = arith.mulf %gather3A_542, %get3A_550 : vector<16xf32>
      %add3A_552 = arith.addf %add3A_530, %mul3A_551 : vector<16xf32>
      %broadcast_in_dim3A_553 = arith.constant 8 : i32
      %broadcast_in_dim3A_554 = vector.broadcast %broadcast_in_dim3A_553 : i32 to vector<16xi32>
      %lt3A_555 = arith.constant 0 : i32
      %lt3A_556 = vector.broadcast %lt3A_555 : i32 to vector<16xi32>
      %lt3A_557 = arith.cmpi slt, %broadcast_in_dim3A_554, %lt3A_556 : vector<16xi32>
      %add3A_558 = arith.constant 16 : i32
      %add3A_559 = vector.broadcast %add3A_558 : i32 to vector<16xi32>
      %add3A_560 = arith.addi %broadcast_in_dim3A_554, %add3A_559 : vector<16xi32>
      %select_n3A_561 = arith.select %lt3A_557, %add3A_560, %broadcast_in_dim3A_554 : vector<16xi1>, vector<16xi32>
      %broadcast_in_dim3A_562 = vector.shape_cast %select_n3A_561 : vector<16xi32> to vector<16x1xi32>
      %gather3A_563 = vector.shape_cast %broadcast_in_dim3A_562 : vector<16x1xi32> to vector<16xi32>
      %gather3A_564 = tpu.dynamic_gather %div3A[%gather3A_563] in [0] : vector<16xf32>, vector<16xi32> -> vector<16xf32>
      %get3A_565 = arith.constant 864 : index
      %get3A_566 = tpu.vector_load %arg4[%get3A_565] {strides = array<i32>} : memref<1760xf32, #tpu.memory_space<vmem>>, vector<16xf32>,
      %get3A_567 = vector.shape_cast %get3A_566 : vector<16xf32> to vector<16xf32>
      %mul3A_568 = arith.mulf %gather3A_564, %get3A_567 : vector<16xf32>
      %add3A_569 = arith.addf %add3A_547, %mul3A_568 : vector<16xf32>
      %get3A_570 = arith.constant 880 : index
      %get3A_571 = tpu.vector_load %arg4[%get3A_570] {strides = array<i32>} : memref<1760xf32, #tpu.memory_space<vmem>>, vector<16xf32>,
      %get3A_572 = vector.shape_cast %get3A_571 : vector<16xf32> to vector<16xf32>
      %mul3A_573 = arith.mulf %gather3A_564, %get3A_572 : vector<16xf32>
      %add3A_574 = arith.addf %add3A_552, %mul3A_573 : vector<16xf32>
      %broadcast_in_dim3A_575 = arith.constant 9 : i32
      %broadcast_in_dim3A_576 = vector.broadcast %broadcast_in_dim3A_575 : i32 to vector<16xi32>
      %lt3A_577 = arith.constant 0 : i32
      %lt3A_578 = vector.broadcast %lt3A_577 : i32 to vector<16xi32>
      %lt3A_579 = arith.cmpi slt, %broadcast_in_dim3A_576, %lt3A_578 : vector<16xi32>
      %add3A_580 = arith.constant 16 : i32
      %add3A_581 = vector.broadcast %add3A_580 : i32 to vector<16xi32>
      %add3A_582 = arith.addi %broadcast_in_dim3A_576, %add3A_581 : vector<16xi32>
      %select_n3A_583 = arith.select %lt3A_579, %add3A_582, %broadcast_in_dim3A_576 : vector<16xi1>, vector<16xi32>
      %broadcast_in_dim3A_584 = vector.shape_cast %select_n3A_583 : vector<16xi32> to vector<16x1xi32>
      %gather3A_585 = vector.shape_cast %broadcast_in_dim3A_584 : vector<16x1xi32> to vector<16xi32>
      %gather3A_586 = tpu.dynamic_gather %div3A[%gather3A_585] in [0] : vector<16xf32>, vector<16xi32> -> vector<16xf32>
      %get3A_587 = arith.constant 896 : index
      %get3A_588 = tpu.vector_load %arg4[%get3A_587] {strides = array<i32>} : memref<1760xf32, #tpu.memory_space<vmem>>, vector<16xf32>,
      %get3A_589 = vector.shape_cast %get3A_588 : vector<16xf32> to vector<16xf32>
      %mul3A_590 = arith.mulf %gather3A_586, %get3A_589 : vector<16xf32>
      %add3A_591 = arith.addf %add3A_569, %mul3A_590 : vector<16xf32>
      %get3A_592 = arith.constant 912 : index
      %get3A_593 = tpu.vector_load %arg4[%get3A_592] {strides = array<i32>} : memref<1760xf32, #tpu.memory_space<vmem>>, vector<16xf32>,
      %get3A_594 = vector.shape_cast %get3A_593 : vector<16xf32> to vector<16xf32>
      %mul3A_595 = arith.mulf %gather3A_586, %get3A_594 : vector<16xf32>
      %add3A_596 = arith.addf %add3A_574, %mul3A_595 : vector<16xf32>
      %broadcast_in_dim3A_597 = arith.constant 10 : i32
      %broadcast_in_dim3A_598 = vector.broadcast %broadcast_in_dim3A_597 : i32 to vector<16xi32>
      %lt3A_599 = arith.constant 0 : i32
      %lt3A_600 = vector.broadcast %lt3A_599 : i32 to vector<16xi32>
      %lt3A_601 = arith.cmpi slt, %broadcast_in_dim3A_598, %lt3A_600 : vector<16xi32>
      %add3A_602 = arith.constant 16 : i32
      %add3A_603 = vector.broadcast %add3A_602 : i32 to vector<16xi32>
      %add3A_604 = arith.addi %broadcast_in_dim3A_598, %add3A_603 : vector<16xi32>
      %select_n3A_605 = arith.select %lt3A_601, %add3A_604, %broadcast_in_dim3A_598 : vector<16xi1>, vector<16xi32>
      %broadcast_in_dim3A_606 = vector.shape_cast %select_n3A_605 : vector<16xi32> to vector<16x1xi32>
      %gather3A_607 = vector.shape_cast %broadcast_in_dim3A_606 : vector<16x1xi32> to vector<16xi32>
      %gather3A_608 = tpu.dynamic_gather %div3A[%gather3A_607] in [0] : vector<16xf32>, vector<16xi32> -> vector<16xf32>
      %get3A_609 = arith.constant 928 : index
      %get3A_610 = tpu.vector_load %arg4[%get3A_609] {strides = array<i32>} : memref<1760xf32, #tpu.memory_space<vmem>>, vector<16xf32>,
      %get3A_611 = vector.shape_cast %get3A_610 : vector<16xf32> to vector<16xf32>
      %mul3A_612 = arith.mulf %gather3A_608, %get3A_611 : vector<16xf32>
      %add3A_613 = arith.addf %add3A_591, %mul3A_612 : vector<16xf32>
      %get3A_614 = arith.constant 944 : index
      %get3A_615 = tpu.vector_load %arg4[%get3A_614] {strides = array<i32>} : memref<1760xf32, #tpu.memory_space<vmem>>, vector<16xf32>,
      %get3A_616 = vector.shape_cast %get3A_615 : vector<16xf32> to vector<16xf32>
      %mul3A_617 = arith.mulf %gather3A_608, %get3A_616 : vector<16xf32>
      %add3A_618 = arith.addf %add3A_596, %mul3A_617 : vector<16xf32>
      %broadcast_in_dim3A_619 = arith.constant 11 : i32
      %broadcast_in_dim3A_620 = vector.broadcast %broadcast_in_dim3A_619 : i32 to vector<16xi32>
      %lt3A_621 = arith.constant 0 : i32
      %lt3A_622 = vector.broadcast %lt3A_621 : i32 to vector<16xi32>
      %lt3A_623 = arith.cmpi slt, %broadcast_in_dim3A_620, %lt3A_622 : vector<16xi32>
      %add3A_624 = arith.constant 16 : i32
      %add3A_625 = vector.broadcast %add3A_624 : i32 to vector<16xi32>
      %add3A_626 = arith.addi %broadcast_in_dim3A_620, %add3A_625 : vector<16xi32>
      %select_n3A_627 = arith.select %lt3A_623, %add3A_626, %broadcast_in_dim3A_620 : vector<16xi1>, vector<16xi32>
      %broadcast_in_dim3A_628 = vector.shape_cast %select_n3A_627 : vector<16xi32> to vector<16x1xi32>
      %gather3A_629 = vector.shape_cast %broadcast_in_dim3A_628 : vector<16x1xi32> to vector<16xi32>
      %gather3A_630 = tpu.dynamic_gather %div3A[%gather3A_629] in [0] : vector<16xf32>, vector<16xi32> -> vector<16xf32>
      %get3A_631 = arith.constant 960 : index
      %get3A_632 = tpu.vector_load %arg4[%get3A_631] {strides = array<i32>} : memref<1760xf32, #tpu.memory_space<vmem>>, vector<16xf32>,
      %get3A_633 = vector.shape_cast %get3A_632 : vector<16xf32> to vector<16xf32>
      %mul3A_634 = arith.mulf %gather3A_630, %get3A_633 : vector<16xf32>
      %add3A_635 = arith.addf %add3A_613, %mul3A_634 : vector<16xf32>
      %get3A_636 = arith.constant 976 : index
      %get3A_637 = tpu.vector_load %arg4[%get3A_636] {strides = array<i32>} : memref<1760xf32, #tpu.memory_space<vmem>>, vector<16xf32>,
      %get3A_638 = vector.shape_cast %get3A_637 : vector<16xf32> to vector<16xf32>
      %mul3A_639 = arith.mulf %gather3A_630, %get3A_638 : vector<16xf32>
      %add3A_640 = arith.addf %add3A_618, %mul3A_639 : vector<16xf32>
      %broadcast_in_dim3A_641 = arith.constant 12 : i32
      %broadcast_in_dim3A_642 = vector.broadcast %broadcast_in_dim3A_641 : i32 to vector<16xi32>
      %lt3A_643 = arith.constant 0 : i32
      %lt3A_644 = vector.broadcast %lt3A_643 : i32 to vector<16xi32>
      %lt3A_645 = arith.cmpi slt, %broadcast_in_dim3A_642, %lt3A_644 : vector<16xi32>
      %add3A_646 = arith.constant 16 : i32
      %add3A_647 = vector.broadcast %add3A_646 : i32 to vector<16xi32>
      %add3A_648 = arith.addi %broadcast_in_dim3A_642, %add3A_647 : vector<16xi32>
      %select_n3A_649 = arith.select %lt3A_645, %add3A_648, %broadcast_in_dim3A_642 : vector<16xi1>, vector<16xi32>
      %broadcast_in_dim3A_650 = vector.shape_cast %select_n3A_649 : vector<16xi32> to vector<16x1xi32>
      %gather3A_651 = vector.shape_cast %broadcast_in_dim3A_650 : vector<16x1xi32> to vector<16xi32>
      %gather3A_652 = tpu.dynamic_gather %div3A[%gather3A_651] in [0] : vector<16xf32>, vector<16xi32> -> vector<16xf32>
      %get3A_653 = arith.constant 992 : index
      %get3A_654 = tpu.vector_load %arg4[%get3A_653] {strides = array<i32>} : memref<1760xf32, #tpu.memory_space<vmem>>, vector<16xf32>,
      %get3A_655 = vector.shape_cast %get3A_654 : vector<16xf32> to vector<16xf32>
      %mul3A_656 = arith.mulf %gather3A_652, %get3A_655 : vector<16xf32>
      %add3A_657 = arith.addf %add3A_635, %mul3A_656 : vector<16xf32>
      %get3A_658 = arith.constant 1008 : index
      %get3A_659 = tpu.vector_load %arg4[%get3A_658] {strides = array<i32>} : memref<1760xf32, #tpu.memory_space<vmem>>, vector<16xf32>,
      %get3A_660 = vector.shape_cast %get3A_659 : vector<16xf32> to vector<16xf32>
      %mul3A_661 = arith.mulf %gather3A_652, %get3A_660 : vector<16xf32>
      %add3A_662 = arith.addf %add3A_640, %mul3A_661 : vector<16xf32>
      %broadcast_in_dim3A_663 = arith.constant 13 : i32
      %broadcast_in_dim3A_664 = vector.broadcast %broadcast_in_dim3A_663 : i32 to vector<16xi32>
      %lt3A_665 = arith.constant 0 : i32
      %lt3A_666 = vector.broadcast %lt3A_665 : i32 to vector<16xi32>
      %lt3A_667 = arith.cmpi slt, %broadcast_in_dim3A_664, %lt3A_666 : vector<16xi32>
      %add3A_668 = arith.constant 16 : i32
      %add3A_669 = vector.broadcast %add3A_668 : i32 to vector<16xi32>
      %add3A_670 = arith.addi %broadcast_in_dim3A_664, %add3A_669 : vector<16xi32>
      %select_n3A_671 = arith.select %lt3A_667, %add3A_670, %broadcast_in_dim3A_664 : vector<16xi1>, vector<16xi32>
      %broadcast_in_dim3A_672 = vector.shape_cast %select_n3A_671 : vector<16xi32> to vector<16x1xi32>
      %gather3A_673 = vector.shape_cast %broadcast_in_dim3A_672 : vector<16x1xi32> to vector<16xi32>
      %gather3A_674 = tpu.dynamic_gather %div3A[%gather3A_673] in [0] : vector<16xf32>, vector<16xi32> -> vector<16xf32>
      %get3A_675 = arith.constant 1024 : index
      %get3A_676 = tpu.vector_load %arg4[%get3A_675] {strides = array<i32>} : memref<1760xf32, #tpu.memory_space<vmem>>, vector<16xf32>,
      %get3A_677 = vector.shape_cast %get3A_676 : vector<16xf32> to vector<16xf32>
      %mul3A_678 = arith.mulf %gather3A_674, %get3A_677 : vector<16xf32>
      %add3A_679 = arith.addf %add3A_657, %mul3A_678 : vector<16xf32>
      %get3A_680 = arith.constant 1040 : index
      %get3A_681 = tpu.vector_load %arg4[%get3A_680] {strides = array<i32>} : memref<1760xf32, #tpu.memory_space<vmem>>, vector<16xf32>,
      %get3A_682 = vector.shape_cast %get3A_681 : vector<16xf32> to vector<16xf32>
      %mul3A_683 = arith.mulf %gather3A_674, %get3A_682 : vector<16xf32>
      %add3A_684 = arith.addf %add3A_662, %mul3A_683 : vector<16xf32>
      %broadcast_in_dim3A_685 = arith.constant 14 : i32
      %broadcast_in_dim3A_686 = vector.broadcast %broadcast_in_dim3A_685 : i32 to vector<16xi32>
      %lt3A_687 = arith.constant 0 : i32
      %lt3A_688 = vector.broadcast %lt3A_687 : i32 to vector<16xi32>
      %lt3A_689 = arith.cmpi slt, %broadcast_in_dim3A_686, %lt3A_688 : vector<16xi32>
      %add3A_690 = arith.constant 16 : i32
      %add3A_691 = vector.broadcast %add3A_690 : i32 to vector<16xi32>
      %add3A_692 = arith.addi %broadcast_in_dim3A_686, %add3A_691 : vector<16xi32>
      %select_n3A_693 = arith.select %lt3A_689, %add3A_692, %broadcast_in_dim3A_686 : vector<16xi1>, vector<16xi32>
      %broadcast_in_dim3A_694 = vector.shape_cast %select_n3A_693 : vector<16xi32> to vector<16x1xi32>
      %gather3A_695 = vector.shape_cast %broadcast_in_dim3A_694 : vector<16x1xi32> to vector<16xi32>
      %gather3A_696 = tpu.dynamic_gather %div3A[%gather3A_695] in [0] : vector<16xf32>, vector<16xi32> -> vector<16xf32>
      %get3A_697 = arith.constant 1056 : index
      %get3A_698 = tpu.vector_load %arg4[%get3A_697] {strides = array<i32>} : memref<1760xf32, #tpu.memory_space<vmem>>, vector<16xf32>,
      %get3A_699 = vector.shape_cast %get3A_698 : vector<16xf32> to vector<16xf32>
      %mul3A_700 = arith.mulf %gather3A_696, %get3A_699 : vector<16xf32>
      %add3A_701 = arith.addf %add3A_679, %mul3A_700 : vector<16xf32>
      %get3A_702 = arith.constant 1072 : index
      %get3A_703 = tpu.vector_load %arg4[%get3A_702] {strides = array<i32>} : memref<1760xf32, #tpu.memory_space<vmem>>, vector<16xf32>,
      %get3A_704 = vector.shape_cast %get3A_703 : vector<16xf32> to vector<16xf32>
      %mul3A_705 = arith.mulf %gather3A_696, %get3A_704 : vector<16xf32>
      %add3A_706 = arith.addf %add3A_684, %mul3A_705 : vector<16xf32>
      %broadcast_in_dim3A_707 = arith.constant 15 : i32
      %broadcast_in_dim3A_708 = vector.broadcast %broadcast_in_dim3A_707 : i32 to vector<16xi32>
      %lt3A_709 = arith.constant 0 : i32
      %lt3A_710 = vector.broadcast %lt3A_709 : i32 to vector<16xi32>
      %lt3A_711 = arith.cmpi slt, %broadcast_in_dim3A_708, %lt3A_710 : vector<16xi32>
      %add3A_712 = arith.constant 16 : i32
      %add3A_713 = vector.broadcast %add3A_712 : i32 to vector<16xi32>
      %add3A_714 = arith.addi %broadcast_in_dim3A_708, %add3A_713 : vector<16xi32>
      %select_n3A_715 = arith.select %lt3A_711, %add3A_714, %broadcast_in_dim3A_708 : vector<16xi1>, vector<16xi32>
      %broadcast_in_dim3A_716 = vector.shape_cast %select_n3A_715 : vector<16xi32> to vector<16x1xi32>
      %gather3A_717 = vector.shape_cast %broadcast_in_dim3A_716 : vector<16x1xi32> to vector<16xi32>
      %gather3A_718 = tpu.dynamic_gather %div3A[%gather3A_717] in [0] : vector<16xf32>, vector<16xi32> -> vector<16xf32>
      %get3A_719 = arith.constant 1088 : index
      %get3A_720 = tpu.vector_load %arg4[%get3A_719] {strides = array<i32>} : memref<1760xf32, #tpu.memory_space<vmem>>, vector<16xf32>,
      %get3A_721 = vector.shape_cast %get3A_720 : vector<16xf32> to vector<16xf32>
      %mul3A_722 = arith.mulf %gather3A_718, %get3A_721 : vector<16xf32>
      %add3A_723 = arith.addf %add3A_701, %mul3A_722 : vector<16xf32>
      %get3A_724 = arith.constant 1104 : index
      %get3A_725 = tpu.vector_load %arg4[%get3A_724] {strides = array<i32>} : memref<1760xf32, #tpu.memory_space<vmem>>, vector<16xf32>,
      %get3A_726 = vector.shape_cast %get3A_725 : vector<16xf32> to vector<16xf32>
      %mul3A_727 = arith.mulf %gather3A_718, %get3A_726 : vector<16xf32>
      %add3A_728 = arith.addf %add3A_706, %mul3A_727 : vector<16xf32>
      %broadcast_in_dim3A_729 = arith.constant 0 : i32
      %broadcast_in_dim3A_730 = vector.broadcast %broadcast_in_dim3A_729 : i32 to vector<16xi32>
      %lt3A_731 = arith.constant 0 : i32
      %lt3A_732 = vector.broadcast %lt3A_731 : i32 to vector<16xi32>
      %lt3A_733 = arith.cmpi slt, %broadcast_in_dim3A_730, %lt3A_732 : vector<16xi32>
      %add3A_734 = arith.constant 16 : i32
      %add3A_735 = vector.broadcast %add3A_734 : i32 to vector<16xi32>
      %add3A_736 = arith.addi %broadcast_in_dim3A_730, %add3A_735 : vector<16xi32>
      %select_n3A_737 = arith.select %lt3A_733, %add3A_736, %broadcast_in_dim3A_730 : vector<16xi1>, vector<16xi32>
      %broadcast_in_dim3A_738 = vector.shape_cast %select_n3A_737 : vector<16xi32> to vector<16x1xi32>
      %gather3A_739 = vector.shape_cast %broadcast_in_dim3A_738 : vector<16x1xi32> to vector<16xi32>
      %gather3A_740 = tpu.dynamic_gather %div3A_370[%gather3A_739] in [0] : vector<16xf32>, vector<16xi32> -> vector<16xf32>
      %get3A_741 = arith.constant 1120 : index
      %get3A_742 = tpu.vector_load %arg4[%get3A_741] {strides = array<i32>} : memref<1760xf32, #tpu.memory_space<vmem>>, vector<16xf32>,
      %get3A_743 = vector.shape_cast %get3A_742 : vector<16xf32> to vector<16xf32>
      %mul3A_744 = arith.mulf %gather3A_740, %get3A_743 : vector<16xf32>
      %add3A_745 = arith.addf %add3A_723, %mul3A_744 : vector<16xf32>
      %get3A_746 = arith.constant 1136 : index
      %get3A_747 = tpu.vector_load %arg4[%get3A_746] {strides = array<i32>} : memref<1760xf32, #tpu.memory_space<vmem>>, vector<16xf32>,
      %get3A_748 = vector.shape_cast %get3A_747 : vector<16xf32> to vector<16xf32>
      %mul3A_749 = arith.mulf %gather3A_740, %get3A_748 : vector<16xf32>
      %add3A_750 = arith.addf %add3A_728, %mul3A_749 : vector<16xf32>
      %broadcast_in_dim3A_751 = arith.constant 1 : i32
      %broadcast_in_dim3A_752 = vector.broadcast %broadcast_in_dim3A_751 : i32 to vector<16xi32>
      %lt3A_753 = arith.constant 0 : i32
      %lt3A_754 = vector.broadcast %lt3A_753 : i32 to vector<16xi32>
      %lt3A_755 = arith.cmpi slt, %broadcast_in_dim3A_752, %lt3A_754 : vector<16xi32>
      %add3A_756 = arith.constant 16 : i32
      %add3A_757 = vector.broadcast %add3A_756 : i32 to vector<16xi32>
      %add3A_758 = arith.addi %broadcast_in_dim3A_752, %add3A_757 : vector<16xi32>
      %select_n3A_759 = arith.select %lt3A_755, %add3A_758, %broadcast_in_dim3A_752 : vector<16xi1>, vector<16xi32>
      %broadcast_in_dim3A_760 = vector.shape_cast %select_n3A_759 : vector<16xi32> to vector<16x1xi32>
      %gather3A_761 = vector.shape_cast %broadcast_in_dim3A_760 : vector<16x1xi32> to vector<16xi32>
      %gather3A_762 = tpu.dynamic_gather %div3A_370[%gather3A_761] in [0] : vector<16xf32>, vector<16xi32> -> vector<16xf32>
      %get3A_763 = arith.constant 1152 : index
      %get3A_764 = tpu.vector_load %arg4[%get3A_763] {strides = array<i32>} : memref<1760xf32, #tpu.memory_space<vmem>>, vector<16xf32>,
      %get3A_765 = vector.shape_cast %get3A_764 : vector<16xf32> to vector<16xf32>
      %mul3A_766 = arith.mulf %gather3A_762, %get3A_765 : vector<16xf32>
      %add3A_767 = arith.addf %add3A_745, %mul3A_766 : vector<16xf32>
      %get3A_768 = arith.constant 1168 : index
      %get3A_769 = tpu.vector_load %arg4[%get3A_768] {strides = array<i32>} : memref<1760xf32, #tpu.memory_space<vmem>>, vector<16xf32>,
      %get3A_770 = vector.shape_cast %get3A_769 : vector<16xf32> to vector<16xf32>
      %mul3A_771 = arith.mulf %gather3A_762, %get3A_770 : vector<16xf32>
      %add3A_772 = arith.addf %add3A_750, %mul3A_771 : vector<16xf32>
      %broadcast_in_dim3A_773 = arith.constant 2 : i32
      %broadcast_in_dim3A_774 = vector.broadcast %broadcast_in_dim3A_773 : i32 to vector<16xi32>
      %lt3A_775 = arith.constant 0 : i32
      %lt3A_776 = vector.broadcast %lt3A_775 : i32 to vector<16xi32>
      %lt3A_777 = arith.cmpi slt, %broadcast_in_dim3A_774, %lt3A_776 : vector<16xi32>
      %add3A_778 = arith.constant 16 : i32
      %add3A_779 = vector.broadcast %add3A_778 : i32 to vector<16xi32>
      %add3A_780 = arith.addi %broadcast_in_dim3A_774, %add3A_779 : vector<16xi32>
      %select_n3A_781 = arith.select %lt3A_777, %add3A_780, %broadcast_in_dim3A_774 : vector<16xi1>, vector<16xi32>
      %broadcast_in_dim3A_782 = vector.shape_cast %select_n3A_781 : vector<16xi32> to vector<16x1xi32>
      %gather3A_783 = vector.shape_cast %broadcast_in_dim3A_782 : vector<16x1xi32> to vector<16xi32>
      %gather3A_784 = tpu.dynamic_gather %div3A_370[%gather3A_783] in [0] : vector<16xf32>, vector<16xi32> -> vector<16xf32>
      %get3A_785 = arith.constant 1184 : index
      %get3A_786 = tpu.vector_load %arg4[%get3A_785] {strides = array<i32>} : memref<1760xf32, #tpu.memory_space<vmem>>, vector<16xf32>,
      %get3A_787 = vector.shape_cast %get3A_786 : vector<16xf32> to vector<16xf32>
      %mul3A_788 = arith.mulf %gather3A_784, %get3A_787 : vector<16xf32>
      %add3A_789 = arith.addf %add3A_767, %mul3A_788 : vector<16xf32>
      %get3A_790 = arith.constant 1200 : index
      %get3A_791 = tpu.vector_load %arg4[%get3A_790] {strides = array<i32>} : memref<1760xf32, #tpu.memory_space<vmem>>, vector<16xf32>,
      %get3A_792 = vector.shape_cast %get3A_791 : vector<16xf32> to vector<16xf32>
      %mul3A_793 = arith.mulf %gather3A_784, %get3A_792 : vector<16xf32>
      %add3A_794 = arith.addf %add3A_772, %mul3A_793 : vector<16xf32>
      %broadcast_in_dim3A_795 = arith.constant 3 : i32
      %broadcast_in_dim3A_796 = vector.broadcast %broadcast_in_dim3A_795 : i32 to vector<16xi32>
      %lt3A_797 = arith.constant 0 : i32
      %lt3A_798 = vector.broadcast %lt3A_797 : i32 to vector<16xi32>
      %lt3A_799 = arith.cmpi slt, %broadcast_in_dim3A_796, %lt3A_798 : vector<16xi32>
      %add3A_800 = arith.constant 16 : i32
      %add3A_801 = vector.broadcast %add3A_800 : i32 to vector<16xi32>
      %add3A_802 = arith.addi %broadcast_in_dim3A_796, %add3A_801 : vector<16xi32>
      %select_n3A_803 = arith.select %lt3A_799, %add3A_802, %broadcast_in_dim3A_796 : vector<16xi1>, vector<16xi32>
      %broadcast_in_dim3A_804 = vector.shape_cast %select_n3A_803 : vector<16xi32> to vector<16x1xi32>
      %gather3A_805 = vector.shape_cast %broadcast_in_dim3A_804 : vector<16x1xi32> to vector<16xi32>
      %gather3A_806 = tpu.dynamic_gather %div3A_370[%gather3A_805] in [0] : vector<16xf32>, vector<16xi32> -> vector<16xf32>
      %get3A_807 = arith.constant 1216 : index
      %get3A_808 = tpu.vector_load %arg4[%get3A_807] {strides = array<i32>} : memref<1760xf32, #tpu.memory_space<vmem>>, vector<16xf32>,
      %get3A_809 = vector.shape_cast %get3A_808 : vector<16xf32> to vector<16xf32>
      %mul3A_810 = arith.mulf %gather3A_806, %get3A_809 : vector<16xf32>
      %add3A_811 = arith.addf %add3A_789, %mul3A_810 : vector<16xf32>
      %get3A_812 = arith.constant 1232 : index
      %get3A_813 = tpu.vector_load %arg4[%get3A_812] {strides = array<i32>} : memref<1760xf32, #tpu.memory_space<vmem>>, vector<16xf32>,
      %get3A_814 = vector.shape_cast %get3A_813 : vector<16xf32> to vector<16xf32>
      %mul3A_815 = arith.mulf %gather3A_806, %get3A_814 : vector<16xf32>
      %add3A_816 = arith.addf %add3A_794, %mul3A_815 : vector<16xf32>
      %broadcast_in_dim3A_817 = arith.constant 4 : i32
      %broadcast_in_dim3A_818 = vector.broadcast %broadcast_in_dim3A_817 : i32 to vector<16xi32>
      %lt3A_819 = arith.constant 0 : i32
      %lt3A_820 = vector.broadcast %lt3A_819 : i32 to vector<16xi32>
      %lt3A_821 = arith.cmpi slt, %broadcast_in_dim3A_818, %lt3A_820 : vector<16xi32>
      %add3A_822 = arith.constant 16 : i32
      %add3A_823 = vector.broadcast %add3A_822 : i32 to vector<16xi32>
      %add3A_824 = arith.addi %broadcast_in_dim3A_818, %add3A_823 : vector<16xi32>
      %select_n3A_825 = arith.select %lt3A_821, %add3A_824, %broadcast_in_dim3A_818 : vector<16xi1>, vector<16xi32>
      %broadcast_in_dim3A_826 = vector.shape_cast %select_n3A_825 : vector<16xi32> to vector<16x1xi32>
      %gather3A_827 = vector.shape_cast %broadcast_in_dim3A_826 : vector<16x1xi32> to vector<16xi32>
      %gather3A_828 = tpu.dynamic_gather %div3A_370[%gather3A_827] in [0] : vector<16xf32>, vector<16xi32> -> vector<16xf32>
      %get3A_829 = arith.constant 1248 : index
      %get3A_830 = tpu.vector_load %arg4[%get3A_829] {strides = array<i32>} : memref<1760xf32, #tpu.memory_space<vmem>>, vector<16xf32>,
      %get3A_831 = vector.shape_cast %get3A_830 : vector<16xf32> to vector<16xf32>
      %mul3A_832 = arith.mulf %gather3A_828, %get3A_831 : vector<16xf32>
      %add3A_833 = arith.addf %add3A_811, %mul3A_832 : vector<16xf32>
      %get3A_834 = arith.constant 1264 : index
      %get3A_835 = tpu.vector_load %arg4[%get3A_834] {strides = array<i32>} : memref<1760xf32, #tpu.memory_space<vmem>>, vector<16xf32>,
      %get3A_836 = vector.shape_cast %get3A_835 : vector<16xf32> to vector<16xf32>
      %mul3A_837 = arith.mulf %gather3A_828, %get3A_836 : vector<16xf32>
      %add3A_838 = arith.addf %add3A_816, %mul3A_837 : vector<16xf32>
      %broadcast_in_dim3A_839 = arith.constant 5 : i32
      %broadcast_in_dim3A_840 = vector.broadcast %broadcast_in_dim3A_839 : i32 to vector<16xi32>
      %lt3A_841 = arith.constant 0 : i32
      %lt3A_842 = vector.broadcast %lt3A_841 : i32 to vector<16xi32>
      %lt3A_843 = arith.cmpi slt, %broadcast_in_dim3A_840, %lt3A_842 : vector<16xi32>
      %add3A_844 = arith.constant 16 : i32
      %add3A_845 = vector.broadcast %add3A_844 : i32 to vector<16xi32>
      %add3A_846 = arith.addi %broadcast_in_dim3A_840, %add3A_845 : vector<16xi32>
      %select_n3A_847 = arith.select %lt3A_843, %add3A_846, %broadcast_in_dim3A_840 : vector<16xi1>, vector<16xi32>
      %broadcast_in_dim3A_848 = vector.shape_cast %select_n3A_847 : vector<16xi32> to vector<16x1xi32>
      %gather3A_849 = vector.shape_cast %broadcast_in_dim3A_848 : vector<16x1xi32> to vector<16xi32>
      %gather3A_850 = tpu.dynamic_gather %div3A_370[%gather3A_849] in [0] : vector<16xf32>, vector<16xi32> -> vector<16xf32>
      %get3A_851 = arith.constant 1280 : index
      %get3A_852 = tpu.vector_load %arg4[%get3A_851] {strides = array<i32>} : memref<1760xf32, #tpu.memory_space<vmem>>, vector<16xf32>,
      %get3A_853 = vector.shape_cast %get3A_852 : vector<16xf32> to vector<16xf32>
      %mul3A_854 = arith.mulf %gather3A_850, %get3A_853 : vector<16xf32>
      %add3A_855 = arith.addf %add3A_833, %mul3A_854 : vector<16xf32>
      %get3A_856 = arith.constant 1296 : index
      %get3A_857 = tpu.vector_load %arg4[%get3A_856] {strides = array<i32>} : memref<1760xf32, #tpu.memory_space<vmem>>, vector<16xf32>,
      %get3A_858 = vector.shape_cast %get3A_857 : vector<16xf32> to vector<16xf32>
      %mul3A_859 = arith.mulf %gather3A_850, %get3A_858 : vector<16xf32>
      %add3A_860 = arith.addf %add3A_838, %mul3A_859 : vector<16xf32>
      %broadcast_in_dim3A_861 = arith.constant 6 : i32
      %broadcast_in_dim3A_862 = vector.broadcast %broadcast_in_dim3A_861 : i32 to vector<16xi32>
      %lt3A_863 = arith.constant 0 : i32
      %lt3A_864 = vector.broadcast %lt3A_863 : i32 to vector<16xi32>
      %lt3A_865 = arith.cmpi slt, %broadcast_in_dim3A_862, %lt3A_864 : vector<16xi32>
      %add3A_866 = arith.constant 16 : i32
      %add3A_867 = vector.broadcast %add3A_866 : i32 to vector<16xi32>
      %add3A_868 = arith.addi %broadcast_in_dim3A_862, %add3A_867 : vector<16xi32>
      %select_n3A_869 = arith.select %lt3A_865, %add3A_868, %broadcast_in_dim3A_862 : vector<16xi1>, vector<16xi32>
      %broadcast_in_dim3A_870 = vector.shape_cast %select_n3A_869 : vector<16xi32> to vector<16x1xi32>
      %gather3A_871 = vector.shape_cast %broadcast_in_dim3A_870 : vector<16x1xi32> to vector<16xi32>
      %gather3A_872 = tpu.dynamic_gather %div3A_370[%gather3A_871] in [0] : vector<16xf32>, vector<16xi32> -> vector<16xf32>
      %get3A_873 = arith.constant 1312 : index
      %get3A_874 = tpu.vector_load %arg4[%get3A_873] {strides = array<i32>} : memref<1760xf32, #tpu.memory_space<vmem>>, vector<16xf32>,
      %get3A_875 = vector.shape_cast %get3A_874 : vector<16xf32> to vector<16xf32>
      %mul3A_876 = arith.mulf %gather3A_872, %get3A_875 : vector<16xf32>
      %add3A_877 = arith.addf %add3A_855, %mul3A_876 : vector<16xf32>
      %get3A_878 = arith.constant 1328 : index
      %get3A_879 = tpu.vector_load %arg4[%get3A_878] {strides = array<i32>} : memref<1760xf32, #tpu.memory_space<vmem>>, vector<16xf32>,
      %get3A_880 = vector.shape_cast %get3A_879 : vector<16xf32> to vector<16xf32>
      %mul3A_881 = arith.mulf %gather3A_872, %get3A_880 : vector<16xf32>
      %add3A_882 = arith.addf %add3A_860, %mul3A_881 : vector<16xf32>
      %broadcast_in_dim3A_883 = arith.constant 7 : i32
      %broadcast_in_dim3A_884 = vector.broadcast %broadcast_in_dim3A_883 : i32 to vector<16xi32>
      %lt3A_885 = arith.constant 0 : i32
      %lt3A_886 = vector.broadcast %lt3A_885 : i32 to vector<16xi32>
      %lt3A_887 = arith.cmpi slt, %broadcast_in_dim3A_884, %lt3A_886 : vector<16xi32>
      %add3A_888 = arith.constant 16 : i32
      %add3A_889 = vector.broadcast %add3A_888 : i32 to vector<16xi32>
      %add3A_890 = arith.addi %broadcast_in_dim3A_884, %add3A_889 : vector<16xi32>
      %select_n3A_891 = arith.select %lt3A_887, %add3A_890, %broadcast_in_dim3A_884 : vector<16xi1>, vector<16xi32>
      %broadcast_in_dim3A_892 = vector.shape_cast %select_n3A_891 : vector<16xi32> to vector<16x1xi32>
      %gather3A_893 = vector.shape_cast %broadcast_in_dim3A_892 : vector<16x1xi32> to vector<16xi32>
      %gather3A_894 = tpu.dynamic_gather %div3A_370[%gather3A_893] in [0] : vector<16xf32>, vector<16xi32> -> vector<16xf32>
      %get3A_895 = arith.constant 1344 : index
      %get3A_896 = tpu.vector_load %arg4[%get3A_895] {strides = array<i32>} : memref<1760xf32, #tpu.memory_space<vmem>>, vector<16xf32>,
      %get3A_897 = vector.shape_cast %get3A_896 : vector<16xf32> to vector<16xf32>
      %mul3A_898 = arith.mulf %gather3A_894, %get3A_897 : vector<16xf32>
      %add3A_899 = arith.addf %add3A_877, %mul3A_898 : vector<16xf32>
      %get3A_900 = arith.constant 1360 : index
      %get3A_901 = tpu.vector_load %arg4[%get3A_900] {strides = array<i32>} : memref<1760xf32, #tpu.memory_space<vmem>>, vector<16xf32>,
      %get3A_902 = vector.shape_cast %get3A_901 : vector<16xf32> to vector<16xf32>
      %mul3A_903 = arith.mulf %gather3A_894, %get3A_902 : vector<16xf32>
      %add3A_904 = arith.addf %add3A_882, %mul3A_903 : vector<16xf32>
      %neg3A_905 = arith.constant 0.000000e+00 : f32
      %neg3A_906 = vector.broadcast %neg3A_905 : f32 to vector<16xf32>
      %neg3A_907 = arith.subf %neg3A_906, %add3A_899 : vector<16xf32>
      %exp3A_908 = math.exp %neg3A_907 : vector<16xf32>
      %add3A_909 = arith.constant 1.000000e+00 : f32
      %add3A_910 = vector.broadcast %add3A_909 : f32 to vector<16xf32>
      %add3A_911 = arith.addf %add3A_910, %exp3A_908 : vector<16xf32>
      %div3A_912 = arith.divf %add3A_899, %add3A_911 : vector<16xf32>
      %neg3A_913 = arith.constant 0.000000e+00 : f32
      %neg3A_914 = vector.broadcast %neg3A_913 : f32 to vector<16xf32>
      %neg3A_915 = arith.subf %neg3A_914, %add3A_904 : vector<16xf32>
      %exp3A_916 = math.exp %neg3A_915 : vector<16xf32>
      %add3A_917 = arith.constant 1.000000e+00 : f32
      %add3A_918 = vector.broadcast %add3A_917 : f32 to vector<16xf32>
      %add3A_919 = arith.addf %add3A_918, %exp3A_916 : vector<16xf32>
      %div3A_920 = arith.divf %add3A_904, %add3A_919 : vector<16xf32>
      %get3A_921 = arith.constant 80 : index
      %get3A_922 = tpu.vector_load %arg4[%get3A_921] {strides = array<i32>} : memref<1760xf32, #tpu.memory_space<vmem>>, vector<16xf32>,
      %get3A_923 = vector.shape_cast %get3A_922 : vector<16xf32> to vector<16xf32>
      %broadcast_in_dim3A_924 = arith.constant 0 : i32
      %broadcast_in_dim3A_925 = vector.broadcast %broadcast_in_dim3A_924 : i32 to vector<16xi32>
      %lt3A_926 = arith.constant 0 : i32
      %lt3A_927 = vector.broadcast %lt3A_926 : i32 to vector<16xi32>
      %lt3A_928 = arith.cmpi slt, %broadcast_in_dim3A_925, %lt3A_927 : vector<16xi32>
      %add3A_929 = arith.constant 16 : i32
      %add3A_930 = vector.broadcast %add3A_929 : i32 to vector<16xi32>
      %add3A_931 = arith.addi %broadcast_in_dim3A_925, %add3A_930 : vector<16xi32>
      %select_n3A_932 = arith.select %lt3A_928, %add3A_931, %broadcast_in_dim3A_925 : vector<16xi1>, vector<16xi32>
      %broadcast_in_dim3A_933 = vector.shape_cast %select_n3A_932 : vector<16xi32> to vector<16x1xi32>
      %gather3A_934 = vector.shape_cast %broadcast_in_dim3A_933 : vector<16x1xi32> to vector<16xi32>
      %gather3A_935 = tpu.dynamic_gather %div3A_912[%gather3A_934] in [0] : vector<16xf32>, vector<16xi32> -> vector<16xf32>
      %get3A_936 = arith.constant 1376 : index
      %get3A_937 = tpu.vector_load %arg4[%get3A_936] {strides = array<i32>} : memref<1760xf32, #tpu.memory_space<vmem>>, vector<16xf32>,
      %get3A_938 = vector.shape_cast %get3A_937 : vector<16xf32> to vector<16xf32>
      %mul3A_939 = arith.mulf %gather3A_935, %get3A_938 : vector<16xf32>
      %add3A_940 = arith.addf %get3A_923, %mul3A_939 : vector<16xf32>
      %broadcast_in_dim3A_941 = arith.constant 1 : i32
      %broadcast_in_dim3A_942 = vector.broadcast %broadcast_in_dim3A_941 : i32 to vector<16xi32>
      %lt3A_943 = arith.constant 0 : i32
      %lt3A_944 = vector.broadcast %lt3A_943 : i32 to vector<16xi32>
      %lt3A_945 = arith.cmpi slt, %broadcast_in_dim3A_942, %lt3A_944 : vector<16xi32>
      %add3A_946 = arith.constant 16 : i32
      %add3A_947 = vector.broadcast %add3A_946 : i32 to vector<16xi32>
      %add3A_948 = arith.addi %broadcast_in_dim3A_942, %add3A_947 : vector<16xi32>
      %select_n3A_949 = arith.select %lt3A_945, %add3A_948, %broadcast_in_dim3A_942 : vector<16xi1>, vector<16xi32>
      %broadcast_in_dim3A_950 = vector.shape_cast %select_n3A_949 : vector<16xi32> to vector<16x1xi32>
      %gather3A_951 = vector.shape_cast %broadcast_in_dim3A_950 : vector<16x1xi32> to vector<16xi32>
      %gather3A_952 = tpu.dynamic_gather %div3A_912[%gather3A_951] in [0] : vector<16xf32>, vector<16xi32> -> vector<16xf32>
      %get3A_953 = arith.constant 1392 : index
      %get3A_954 = tpu.vector_load %arg4[%get3A_953] {strides = array<i32>} : memref<1760xf32, #tpu.memory_space<vmem>>, vector<16xf32>,
      %get3A_955 = vector.shape_cast %get3A_954 : vector<16xf32> to vector<16xf32>
      %mul3A_956 = arith.mulf %gather3A_952, %get3A_955 : vector<16xf32>
      %add3A_957 = arith.addf %add3A_940, %mul3A_956 : vector<16xf32>
      %broadcast_in_dim3A_958 = arith.constant 2 : i32
      %broadcast_in_dim3A_959 = vector.broadcast %broadcast_in_dim3A_958 : i32 to vector<16xi32>
      %lt3A_960 = arith.constant 0 : i32
      %lt3A_961 = vector.broadcast %lt3A_960 : i32 to vector<16xi32>
      %lt3A_962 = arith.cmpi slt, %broadcast_in_dim3A_959, %lt3A_961 : vector<16xi32>
      %add3A_963 = arith.constant 16 : i32
      %add3A_964 = vector.broadcast %add3A_963 : i32 to vector<16xi32>
      %add3A_965 = arith.addi %broadcast_in_dim3A_959, %add3A_964 : vector<16xi32>
      %select_n3A_966 = arith.select %lt3A_962, %add3A_965, %broadcast_in_dim3A_959 : vector<16xi1>, vector<16xi32>
      %broadcast_in_dim3A_967 = vector.shape_cast %select_n3A_966 : vector<16xi32> to vector<16x1xi32>
      %gather3A_968 = vector.shape_cast %broadcast_in_dim3A_967 : vector<16x1xi32> to vector<16xi32>
      %gather3A_969 = tpu.dynamic_gather %div3A_912[%gather3A_968] in [0] : vector<16xf32>, vector<16xi32> -> vector<16xf32>
      %get3A_970 = arith.constant 1408 : index
      %get3A_971 = tpu.vector_load %arg4[%get3A_970] {strides = array<i32>} : memref<1760xf32, #tpu.memory_space<vmem>>, vector<16xf32>,
      %get3A_972 = vector.shape_cast %get3A_971 : vector<16xf32> to vector<16xf32>
      %mul3A_973 = arith.mulf %gather3A_969, %get3A_972 : vector<16xf32>
      %add3A_974 = arith.addf %add3A_957, %mul3A_973 : vector<16xf32>
      %broadcast_in_dim3A_975 = arith.constant 3 : i32
      %broadcast_in_dim3A_976 = vector.broadcast %broadcast_in_dim3A_975 : i32 to vector<16xi32>
      %lt3A_977 = arith.constant 0 : i32
      %lt3A_978 = vector.broadcast %lt3A_977 : i32 to vector<16xi32>
      %lt3A_979 = arith.cmpi slt, %broadcast_in_dim3A_976, %lt3A_978 : vector<16xi32>
      %add3A_980 = arith.constant 16 : i32
      %add3A_981 = vector.broadcast %add3A_980 : i32 to vector<16xi32>
      %add3A_982 = arith.addi %broadcast_in_dim3A_976, %add3A_981 : vector<16xi32>
      %select_n3A_983 = arith.select %lt3A_979, %add3A_982, %broadcast_in_dim3A_976 : vector<16xi1>, vector<16xi32>
      %broadcast_in_dim3A_984 = vector.shape_cast %select_n3A_983 : vector<16xi32> to vector<16x1xi32>
      %gather3A_985 = vector.shape_cast %broadcast_in_dim3A_984 : vector<16x1xi32> to vector<16xi32>
      %gather3A_986 = tpu.dynamic_gather %div3A_912[%gather3A_985] in [0] : vector<16xf32>, vector<16xi32> -> vector<16xf32>
      %get3A_987 = arith.constant 1424 : index
      %get3A_988 = tpu.vector_load %arg4[%get3A_987] {strides = array<i32>} : memref<1760xf32, #tpu.memory_space<vmem>>, vector<16xf32>,
      %get3A_989 = vector.shape_cast %get3A_988 : vector<16xf32> to vector<16xf32>
      %mul3A_990 = arith.mulf %gather3A_986, %get3A_989 : vector<16xf32>
      %add3A_991 = arith.addf %add3A_974, %mul3A_990 : vector<16xf32>
      %broadcast_in_dim3A_992 = arith.constant 4 : i32
      %broadcast_in_dim3A_993 = vector.broadcast %broadcast_in_dim3A_992 : i32 to vector<16xi32>
      %lt3A_994 = arith.constant 0 : i32
      %lt3A_995 = vector.broadcast %lt3A_994 : i32 to vector<16xi32>
      %lt3A_996 = arith.cmpi slt, %broadcast_in_dim3A_993, %lt3A_995 : vector<16xi32>
      %add3A_997 = arith.constant 16 : i32
      %add3A_998 = vector.broadcast %add3A_997 : i32 to vector<16xi32>
      %add3A_999 = arith.addi %broadcast_in_dim3A_993, %add3A_998 : vector<16xi32>
      %select_n3A_1000 = arith.select %lt3A_996, %add3A_999, %broadcast_in_dim3A_993 : vector<16xi1>, vector<16xi32>
      %broadcast_in_dim3A_1001 = vector.shape_cast %select_n3A_1000 : vector<16xi32> to vector<16x1xi32>
      %gather3A_1002 = vector.shape_cast %broadcast_in_dim3A_1001 : vector<16x1xi32> to vector<16xi32>
      %gather3A_1003 = tpu.dynamic_gather %div3A_912[%gather3A_1002] in [0] : vector<16xf32>, vector<16xi32> -> vector<16xf32>
      %get3A_1004 = arith.constant 1440 : index
      %get3A_1005 = tpu.vector_load %arg4[%get3A_1004] {strides = array<i32>} : memref<1760xf32, #tpu.memory_space<vmem>>, vector<16xf32>,
      %get3A_1006 = vector.shape_cast %get3A_1005 : vector<16xf32> to vector<16xf32>
      %mul3A_1007 = arith.mulf %gather3A_1003, %get3A_1006 : vector<16xf32>
      %add3A_1008 = arith.addf %add3A_991, %mul3A_1007 : vector<16xf32>
      %broadcast_in_dim3A_1009 = arith.constant 5 : i32
      %broadcast_in_dim3A_1010 = vector.broadcast %broadcast_in_dim3A_1009 : i32 to vector<16xi32>
      %lt3A_1011 = arith.constant 0 : i32
      %lt3A_1012 = vector.broadcast %lt3A_1011 : i32 to vector<16xi32>
      %lt3A_1013 = arith.cmpi slt, %broadcast_in_dim3A_1010, %lt3A_1012 : vector<16xi32>
      %add3A_1014 = arith.constant 16 : i32
      %add3A_1015 = vector.broadcast %add3A_1014 : i32 to vector<16xi32>
      %add3A_1016 = arith.addi %broadcast_in_dim3A_1010, %add3A_1015 : vector<16xi32>
      %select_n3A_1017 = arith.select %lt3A_1013, %add3A_1016, %broadcast_in_dim3A_1010 : vector<16xi1>, vector<16xi32>
      %broadcast_in_dim3A_1018 = vector.shape_cast %select_n3A_1017 : vector<16xi32> to vector<16x1xi32>
      %gather3A_1019 = vector.shape_cast %broadcast_in_dim3A_1018 : vector<16x1xi32> to vector<16xi32>
      %gather3A_1020 = tpu.dynamic_gather %div3A_912[%gather3A_1019] in [0] : vector<16xf32>, vector<16xi32> -> vector<16xf32>
      %get3A_1021 = arith.constant 1456 : index
      %get3A_1022 = tpu.vector_load %arg4[%get3A_1021] {strides = array<i32>} : memref<1760xf32, #tpu.memory_space<vmem>>, vector<16xf32>,
      %get3A_1023 = vector.shape_cast %get3A_1022 : vector<16xf32> to vector<16xf32>
      %mul3A_1024 = arith.mulf %gather3A_1020, %get3A_1023 : vector<16xf32>
      %add3A_1025 = arith.addf %add3A_1008, %mul3A_1024 : vector<16xf32>
      %broadcast_in_dim3A_1026 = arith.constant 6 : i32
      %broadcast_in_dim3A_1027 = vector.broadcast %broadcast_in_dim3A_1026 : i32 to vector<16xi32>
      %lt3A_1028 = arith.constant 0 : i32
      %lt3A_1029 = vector.broadcast %lt3A_1028 : i32 to vector<16xi32>
      %lt3A_1030 = arith.cmpi slt, %broadcast_in_dim3A_1027, %lt3A_1029 : vector<16xi32>
      %add3A_1031 = arith.constant 16 : i32
      %add3A_1032 = vector.broadcast %add3A_1031 : i32 to vector<16xi32>
      %add3A_1033 = arith.addi %broadcast_in_dim3A_1027, %add3A_1032 : vector<16xi32>
      %select_n3A_1034 = arith.select %lt3A_1030, %add3A_1033, %broadcast_in_dim3A_1027 : vector<16xi1>, vector<16xi32>
      %broadcast_in_dim3A_1035 = vector.shape_cast %select_n3A_1034 : vector<16xi32> to vector<16x1xi32>
      %gather3A_1036 = vector.shape_cast %broadcast_in_dim3A_1035 : vector<16x1xi32> to vector<16xi32>
      %gather3A_1037 = tpu.dynamic_gather %div3A_912[%gather3A_1036] in [0] : vector<16xf32>, vector<16xi32> -> vector<16xf32>
      %get3A_1038 = arith.constant 1472 : index
      %get3A_1039 = tpu.vector_load %arg4[%get3A_1038] {strides = array<i32>} : memref<1760xf32, #tpu.memory_space<vmem>>, vector<16xf32>,
      %get3A_1040 = vector.shape_cast %get3A_1039 : vector<16xf32> to vector<16xf32>
      %mul3A_1041 = arith.mulf %gather3A_1037, %get3A_1040 : vector<16xf32>
      %add3A_1042 = arith.addf %add3A_1025, %mul3A_1041 : vector<16xf32>
      %broadcast_in_dim3A_1043 = arith.constant 7 : i32
      %broadcast_in_dim3A_1044 = vector.broadcast %broadcast_in_dim3A_1043 : i32 to vector<16xi32>
      %lt3A_1045 = arith.constant 0 : i32
      %lt3A_1046 = vector.broadcast %lt3A_1045 : i32 to vector<16xi32>
      %lt3A_1047 = arith.cmpi slt, %broadcast_in_dim3A_1044, %lt3A_1046 : vector<16xi32>
      %add3A_1048 = arith.constant 16 : i32
      %add3A_1049 = vector.broadcast %add3A_1048 : i32 to vector<16xi32>
      %add3A_1050 = arith.addi %broadcast_in_dim3A_1044, %add3A_1049 : vector<16xi32>
      %select_n3A_1051 = arith.select %lt3A_1047, %add3A_1050, %broadcast_in_dim3A_1044 : vector<16xi1>, vector<16xi32>
      %broadcast_in_dim3A_1052 = vector.shape_cast %select_n3A_1051 : vector<16xi32> to vector<16x1xi32>
      %gather3A_1053 = vector.shape_cast %broadcast_in_dim3A_1052 : vector<16x1xi32> to vector<16xi32>
      %gather3A_1054 = tpu.dynamic_gather %div3A_912[%gather3A_1053] in [0] : vector<16xf32>, vector<16xi32> -> vector<16xf32>
      %get3A_1055 = arith.constant 1488 : index
      %get3A_1056 = tpu.vector_load %arg4[%get3A_1055] {strides = array<i32>} : memref<1760xf32, #tpu.memory_space<vmem>>, vector<16xf32>,
      %get3A_1057 = vector.shape_cast %get3A_1056 : vector<16xf32> to vector<16xf32>
      %mul3A_1058 = arith.mulf %gather3A_1054, %get3A_1057 : vector<16xf32>
      %add3A_1059 = arith.addf %add3A_1042, %mul3A_1058 : vector<16xf32>
      %broadcast_in_dim3A_1060 = arith.constant 8 : i32
      %broadcast_in_dim3A_1061 = vector.broadcast %broadcast_in_dim3A_1060 : i32 to vector<16xi32>
      %lt3A_1062 = arith.constant 0 : i32
      %lt3A_1063 = vector.broadcast %lt3A_1062 : i32 to vector<16xi32>
      %lt3A_1064 = arith.cmpi slt, %broadcast_in_dim3A_1061, %lt3A_1063 : vector<16xi32>
      %add3A_1065 = arith.constant 16 : i32
      %add3A_1066 = vector.broadcast %add3A_1065 : i32 to vector<16xi32>
      %add3A_1067 = arith.addi %broadcast_in_dim3A_1061, %add3A_1066 : vector<16xi32>
      %select_n3A_1068 = arith.select %lt3A_1064, %add3A_1067, %broadcast_in_dim3A_1061 : vector<16xi1>, vector<16xi32>
      %broadcast_in_dim3A_1069 = vector.shape_cast %select_n3A_1068 : vector<16xi32> to vector<16x1xi32>
      %gather3A_1070 = vector.shape_cast %broadcast_in_dim3A_1069 : vector<16x1xi32> to vector<16xi32>
      %gather3A_1071 = tpu.dynamic_gather %div3A_912[%gather3A_1070] in [0] : vector<16xf32>, vector<16xi32> -> vector<16xf32>
      %get3A_1072 = arith.constant 1504 : index
      %get3A_1073 = tpu.vector_load %arg4[%get3A_1072] {strides = array<i32>} : memref<1760xf32, #tpu.memory_space<vmem>>, vector<16xf32>,
      %get3A_1074 = vector.shape_cast %get3A_1073 : vector<16xf32> to vector<16xf32>
      %mul3A_1075 = arith.mulf %gather3A_1071, %get3A_1074 : vector<16xf32>
      %add3A_1076 = arith.addf %add3A_1059, %mul3A_1075 : vector<16xf32>
      %broadcast_in_dim3A_1077 = arith.constant 9 : i32
      %broadcast_in_dim3A_1078 = vector.broadcast %broadcast_in_dim3A_1077 : i32 to vector<16xi32>
      %lt3A_1079 = arith.constant 0 : i32
      %lt3A_1080 = vector.broadcast %lt3A_1079 : i32 to vector<16xi32>
      %lt3A_1081 = arith.cmpi slt, %broadcast_in_dim3A_1078, %lt3A_1080 : vector<16xi32>
      %add3A_1082 = arith.constant 16 : i32
      %add3A_1083 = vector.broadcast %add3A_1082 : i32 to vector<16xi32>
      %add3A_1084 = arith.addi %broadcast_in_dim3A_1078, %add3A_1083 : vector<16xi32>
      %select_n3A_1085 = arith.select %lt3A_1081, %add3A_1084, %broadcast_in_dim3A_1078 : vector<16xi1>, vector<16xi32>
      %broadcast_in_dim3A_1086 = vector.shape_cast %select_n3A_1085 : vector<16xi32> to vector<16x1xi32>
      %gather3A_1087 = vector.shape_cast %broadcast_in_dim3A_1086 : vector<16x1xi32> to vector<16xi32>
      %gather3A_1088 = tpu.dynamic_gather %div3A_912[%gather3A_1087] in [0] : vector<16xf32>, vector<16xi32> -> vector<16xf32>
      %get3A_1089 = arith.constant 1520 : index
      %get3A_1090 = tpu.vector_load %arg4[%get3A_1089] {strides = array<i32>} : memref<1760xf32, #tpu.memory_space<vmem>>, vector<16xf32>,
      %get3A_1091 = vector.shape_cast %get3A_1090 : vector<16xf32> to vector<16xf32>
      %mul3A_1092 = arith.mulf %gather3A_1088, %get3A_1091 : vector<16xf32>
      %add3A_1093 = arith.addf %add3A_1076, %mul3A_1092 : vector<16xf32>
      %broadcast_in_dim3A_1094 = arith.constant 10 : i32
      %broadcast_in_dim3A_1095 = vector.broadcast %broadcast_in_dim3A_1094 : i32 to vector<16xi32>
      %lt3A_1096 = arith.constant 0 : i32
      %lt3A_1097 = vector.broadcast %lt3A_1096 : i32 to vector<16xi32>
      %lt3A_1098 = arith.cmpi slt, %broadcast_in_dim3A_1095, %lt3A_1097 : vector<16xi32>
      %add3A_1099 = arith.constant 16 : i32
      %add3A_1100 = vector.broadcast %add3A_1099 : i32 to vector<16xi32>
      %add3A_1101 = arith.addi %broadcast_in_dim3A_1095, %add3A_1100 : vector<16xi32>
      %select_n3A_1102 = arith.select %lt3A_1098, %add3A_1101, %broadcast_in_dim3A_1095 : vector<16xi1>, vector<16xi32>
      %broadcast_in_dim3A_1103 = vector.shape_cast %select_n3A_1102 : vector<16xi32> to vector<16x1xi32>
      %gather3A_1104 = vector.shape_cast %broadcast_in_dim3A_1103 : vector<16x1xi32> to vector<16xi32>
      %gather3A_1105 = tpu.dynamic_gather %div3A_912[%gather3A_1104] in [0] : vector<16xf32>, vector<16xi32> -> vector<16xf32>
      %get3A_1106 = arith.constant 1536 : index
      %get3A_1107 = tpu.vector_load %arg4[%get3A_1106] {strides = array<i32>} : memref<1760xf32, #tpu.memory_space<vmem>>, vector<16xf32>,
      %get3A_1108 = vector.shape_cast %get3A_1107 : vector<16xf32> to vector<16xf32>
      %mul3A_1109 = arith.mulf %gather3A_1105, %get3A_1108 : vector<16xf32>
      %add3A_1110 = arith.addf %add3A_1093, %mul3A_1109 : vector<16xf32>
      %broadcast_in_dim3A_1111 = arith.constant 11 : i32
      %broadcast_in_dim3A_1112 = vector.broadcast %broadcast_in_dim3A_1111 : i32 to vector<16xi32>
      %lt3A_1113 = arith.constant 0 : i32
      %lt3A_1114 = vector.broadcast %lt3A_1113 : i32 to vector<16xi32>
      %lt3A_1115 = arith.cmpi slt, %broadcast_in_dim3A_1112, %lt3A_1114 : vector<16xi32>
      %add3A_1116 = arith.constant 16 : i32
      %add3A_1117 = vector.broadcast %add3A_1116 : i32 to vector<16xi32>
      %add3A_1118 = arith.addi %broadcast_in_dim3A_1112, %add3A_1117 : vector<16xi32>
      %select_n3A_1119 = arith.select %lt3A_1115, %add3A_1118, %broadcast_in_dim3A_1112 : vector<16xi1>, vector<16xi32>
      %broadcast_in_dim3A_1120 = vector.shape_cast %select_n3A_1119 : vector<16xi32> to vector<16x1xi32>
      %gather3A_1121 = vector.shape_cast %broadcast_in_dim3A_1120 : vector<16x1xi32> to vector<16xi32>
      %gather3A_1122 = tpu.dynamic_gather %div3A_912[%gather3A_1121] in [0] : vector<16xf32>, vector<16xi32> -> vector<16xf32>
      %get3A_1123 = arith.constant 1552 : index
      %get3A_1124 = tpu.vector_load %arg4[%get3A_1123] {strides = array<i32>} : memref<1760xf32, #tpu.memory_space<vmem>>, vector<16xf32>,
      %get3A_1125 = vector.shape_cast %get3A_1124 : vector<16xf32> to vector<16xf32>
      %mul3A_1126 = arith.mulf %gather3A_1122, %get3A_1125 : vector<16xf32>
      %add3A_1127 = arith.addf %add3A_1110, %mul3A_1126 : vector<16xf32>
      %broadcast_in_dim3A_1128 = arith.constant 12 : i32
      %broadcast_in_dim3A_1129 = vector.broadcast %broadcast_in_dim3A_1128 : i32 to vector<16xi32>
      %lt3A_1130 = arith.constant 0 : i32
      %lt3A_1131 = vector.broadcast %lt3A_1130 : i32 to vector<16xi32>
      %lt3A_1132 = arith.cmpi slt, %broadcast_in_dim3A_1129, %lt3A_1131 : vector<16xi32>
      %add3A_1133 = arith.constant 16 : i32
      %add3A_1134 = vector.broadcast %add3A_1133 : i32 to vector<16xi32>
      %add3A_1135 = arith.addi %broadcast_in_dim3A_1129, %add3A_1134 : vector<16xi32>
      %select_n3A_1136 = arith.select %lt3A_1132, %add3A_1135, %broadcast_in_dim3A_1129 : vector<16xi1>, vector<16xi32>
      %broadcast_in_dim3A_1137 = vector.shape_cast %select_n3A_1136 : vector<16xi32> to vector<16x1xi32>
      %gather3A_1138 = vector.shape_cast %broadcast_in_dim3A_1137 : vector<16x1xi32> to vector<16xi32>
      %gather3A_1139 = tpu.dynamic_gather %div3A_912[%gather3A_1138] in [0] : vector<16xf32>, vector<16xi32> -> vector<16xf32>
      %get3A_1140 = arith.constant 1568 : index
      %get3A_1141 = tpu.vector_load %arg4[%get3A_1140] {strides = array<i32>} : memref<1760xf32, #tpu.memory_space<vmem>>, vector<16xf32>,
      %get3A_1142 = vector.shape_cast %get3A_1141 : vector<16xf32> to vector<16xf32>
      %mul3A_1143 = arith.mulf %gather3A_1139, %get3A_1142 : vector<16xf32>
      %add3A_1144 = arith.addf %add3A_1127, %mul3A_1143 : vector<16xf32>
      %broadcast_in_dim3A_1145 = arith.constant 13 : i32
      %broadcast_in_dim3A_1146 = vector.broadcast %broadcast_in_dim3A_1145 : i32 to vector<16xi32>
      %lt3A_1147 = arith.constant 0 : i32
      %lt3A_1148 = vector.broadcast %lt3A_1147 : i32 to vector<16xi32>
      %lt3A_1149 = arith.cmpi slt, %broadcast_in_dim3A_1146, %lt3A_1148 : vector<16xi32>
      %add3A_1150 = arith.constant 16 : i32
      %add3A_1151 = vector.broadcast %add3A_1150 : i32 to vector<16xi32>
      %add3A_1152 = arith.addi %broadcast_in_dim3A_1146, %add3A_1151 : vector<16xi32>
      %select_n3A_1153 = arith.select %lt3A_1149, %add3A_1152, %broadcast_in_dim3A_1146 : vector<16xi1>, vector<16xi32>
      %broadcast_in_dim3A_1154 = vector.shape_cast %select_n3A_1153 : vector<16xi32> to vector<16x1xi32>
      %gather3A_1155 = vector.shape_cast %broadcast_in_dim3A_1154 : vector<16x1xi32> to vector<16xi32>
      %gather3A_1156 = tpu.dynamic_gather %div3A_912[%gather3A_1155] in [0] : vector<16xf32>, vector<16xi32> -> vector<16xf32>
      %get3A_1157 = arith.constant 1584 : index
      %get3A_1158 = tpu.vector_load %arg4[%get3A_1157] {strides = array<i32>} : memref<1760xf32, #tpu.memory_space<vmem>>, vector<16xf32>,
      %get3A_1159 = vector.shape_cast %get3A_1158 : vector<16xf32> to vector<16xf32>
      %mul3A_1160 = arith.mulf %gather3A_1156, %get3A_1159 : vector<16xf32>
      %add3A_1161 = arith.addf %add3A_1144, %mul3A_1160 : vector<16xf32>
      %broadcast_in_dim3A_1162 = arith.constant 14 : i32
      %broadcast_in_dim3A_1163 = vector.broadcast %broadcast_in_dim3A_1162 : i32 to vector<16xi32>
      %lt3A_1164 = arith.constant 0 : i32
      %lt3A_1165 = vector.broadcast %lt3A_1164 : i32 to vector<16xi32>
      %lt3A_1166 = arith.cmpi slt, %broadcast_in_dim3A_1163, %lt3A_1165 : vector<16xi32>
      %add3A_1167 = arith.constant 16 : i32
      %add3A_1168 = vector.broadcast %add3A_1167 : i32 to vector<16xi32>
      %add3A_1169 = arith.addi %broadcast_in_dim3A_1163, %add3A_1168 : vector<16xi32>
      %select_n3A_1170 = arith.select %lt3A_1166, %add3A_1169, %broadcast_in_dim3A_1163 : vector<16xi1>, vector<16xi32>
      %broadcast_in_dim3A_1171 = vector.shape_cast %select_n3A_1170 : vector<16xi32> to vector<16x1xi32>
      %gather3A_1172 = vector.shape_cast %broadcast_in_dim3A_1171 : vector<16x1xi32> to vector<16xi32>
      %gather3A_1173 = tpu.dynamic_gather %div3A_912[%gather3A_1172] in [0] : vector<16xf32>, vector<16xi32> -> vector<16xf32>
      %get3A_1174 = arith.constant 1600 : index
      %get3A_1175 = tpu.vector_load %arg4[%get3A_1174] {strides = array<i32>} : memref<1760xf32, #tpu.memory_space<vmem>>, vector<16xf32>,
      %get3A_1176 = vector.shape_cast %get3A_1175 : vector<16xf32> to vector<16xf32>
      %mul3A_1177 = arith.mulf %gather3A_1173, %get3A_1176 : vector<16xf32>
      %add3A_1178 = arith.addf %add3A_1161, %mul3A_1177 : vector<16xf32>
      %broadcast_in_dim3A_1179 = arith.constant 15 : i32
      %broadcast_in_dim3A_1180 = vector.broadcast %broadcast_in_dim3A_1179 : i32 to vector<16xi32>
      %lt3A_1181 = arith.constant 0 : i32
      %lt3A_1182 = vector.broadcast %lt3A_1181 : i32 to vector<16xi32>
      %lt3A_1183 = arith.cmpi slt, %broadcast_in_dim3A_1180, %lt3A_1182 : vector<16xi32>
      %add3A_1184 = arith.constant 16 : i32
      %add3A_1185 = vector.broadcast %add3A_1184 : i32 to vector<16xi32>
      %add3A_1186 = arith.addi %broadcast_in_dim3A_1180, %add3A_1185 : vector<16xi32>
      %select_n3A_1187 = arith.select %lt3A_1183, %add3A_1186, %broadcast_in_dim3A_1180 : vector<16xi1>, vector<16xi32>
      %broadcast_in_dim3A_1188 = vector.shape_cast %select_n3A_1187 : vector<16xi32> to vector<16x1xi32>
      %gather3A_1189 = vector.shape_cast %broadcast_in_dim3A_1188 : vector<16x1xi32> to vector<16xi32>
      %gather3A_1190 = tpu.dynamic_gather %div3A_912[%gather3A_1189] in [0] : vector<16xf32>, vector<16xi32> -> vector<16xf32>
      %get3A_1191 = arith.constant 1616 : index
      %get3A_1192 = tpu.vector_load %arg4[%get3A_1191] {strides = array<i32>} : memref<1760xf32, #tpu.memory_space<vmem>>, vector<16xf32>,
      %get3A_1193 = vector.shape_cast %get3A_1192 : vector<16xf32> to vector<16xf32>
      %mul3A_1194 = arith.mulf %gather3A_1190, %get3A_1193 : vector<16xf32>
      %add3A_1195 = arith.addf %add3A_1178, %mul3A_1194 : vector<16xf32>
      %broadcast_in_dim3A_1196 = arith.constant 0 : i32
      %broadcast_in_dim3A_1197 = vector.broadcast %broadcast_in_dim3A_1196 : i32 to vector<16xi32>
      %lt3A_1198 = arith.constant 0 : i32
      %lt3A_1199 = vector.broadcast %lt3A_1198 : i32 to vector<16xi32>
      %lt3A_1200 = arith.cmpi slt, %broadcast_in_dim3A_1197, %lt3A_1199 : vector<16xi32>
      %add3A_1201 = arith.constant 16 : i32
      %add3A_1202 = vector.broadcast %add3A_1201 : i32 to vector<16xi32>
      %add3A_1203 = arith.addi %broadcast_in_dim3A_1197, %add3A_1202 : vector<16xi32>
      %select_n3A_1204 = arith.select %lt3A_1200, %add3A_1203, %broadcast_in_dim3A_1197 : vector<16xi1>, vector<16xi32>
      %broadcast_in_dim3A_1205 = vector.shape_cast %select_n3A_1204 : vector<16xi32> to vector<16x1xi32>
      %gather3A_1206 = vector.shape_cast %broadcast_in_dim3A_1205 : vector<16x1xi32> to vector<16xi32>
      %gather3A_1207 = tpu.dynamic_gather %div3A_920[%gather3A_1206] in [0] : vector<16xf32>, vector<16xi32> -> vector<16xf32>
      %get3A_1208 = arith.constant 1632 : index
      %get3A_1209 = tpu.vector_load %arg4[%get3A_1208] {strides = array<i32>} : memref<1760xf32, #tpu.memory_space<vmem>>, vector<16xf32>,
      %get3A_1210 = vector.shape_cast %get3A_1209 : vector<16xf32> to vector<16xf32>
      %mul3A_1211 = arith.mulf %gather3A_1207, %get3A_1210 : vector<16xf32>
      %add3A_1212 = arith.addf %add3A_1195, %mul3A_1211 : vector<16xf32>
      %broadcast_in_dim3A_1213 = arith.constant 1 : i32
      %broadcast_in_dim3A_1214 = vector.broadcast %broadcast_in_dim3A_1213 : i32 to vector<16xi32>
      %lt3A_1215 = arith.constant 0 : i32
      %lt3A_1216 = vector.broadcast %lt3A_1215 : i32 to vector<16xi32>
      %lt3A_1217 = arith.cmpi slt, %broadcast_in_dim3A_1214, %lt3A_1216 : vector<16xi32>
      %add3A_1218 = arith.constant 16 : i32
      %add3A_1219 = vector.broadcast %add3A_1218 : i32 to vector<16xi32>
      %add3A_1220 = arith.addi %broadcast_in_dim3A_1214, %add3A_1219 : vector<16xi32>
      %select_n3A_1221 = arith.select %lt3A_1217, %add3A_1220, %broadcast_in_dim3A_1214 : vector<16xi1>, vector<16xi32>
      %broadcast_in_dim3A_1222 = vector.shape_cast %select_n3A_1221 : vector<16xi32> to vector<16x1xi32>
      %gather3A_1223 = vector.shape_cast %broadcast_in_dim3A_1222 : vector<16x1xi32> to vector<16xi32>
      %gather3A_1224 = tpu.dynamic_gather %div3A_920[%gather3A_1223] in [0] : vector<16xf32>, vector<16xi32> -> vector<16xf32>
      %get3A_1225 = arith.constant 1648 : index
      %get3A_1226 = tpu.vector_load %arg4[%get3A_1225] {strides = array<i32>} : memref<1760xf32, #tpu.memory_space<vmem>>, vector<16xf32>,
      %get3A_1227 = vector.shape_cast %get3A_1226 : vector<16xf32> to vector<16xf32>
      %mul3A_1228 = arith.mulf %gather3A_1224, %get3A_1227 : vector<16xf32>
      %add3A_1229 = arith.addf %add3A_1212, %mul3A_1228 : vector<16xf32>
      %broadcast_in_dim3A_1230 = arith.constant 2 : i32
      %broadcast_in_dim3A_1231 = vector.broadcast %broadcast_in_dim3A_1230 : i32 to vector<16xi32>
      %lt3A_1232 = arith.constant 0 : i32
      %lt3A_1233 = vector.broadcast %lt3A_1232 : i32 to vector<16xi32>
      %lt3A_1234 = arith.cmpi slt, %broadcast_in_dim3A_1231, %lt3A_1233 : vector<16xi32>
      %add3A_1235 = arith.constant 16 : i32
      %add3A_1236 = vector.broadcast %add3A_1235 : i32 to vector<16xi32>
      %add3A_1237 = arith.addi %broadcast_in_dim3A_1231, %add3A_1236 : vector<16xi32>
      %select_n3A_1238 = arith.select %lt3A_1234, %add3A_1237, %broadcast_in_dim3A_1231 : vector<16xi1>, vector<16xi32>
      %broadcast_in_dim3A_1239 = vector.shape_cast %select_n3A_1238 : vector<16xi32> to vector<16x1xi32>
      %gather3A_1240 = vector.shape_cast %broadcast_in_dim3A_1239 : vector<16x1xi32> to vector<16xi32>
      %gather3A_1241 = tpu.dynamic_gather %div3A_920[%gather3A_1240] in [0] : vector<16xf32>, vector<16xi32> -> vector<16xf32>
      %get3A_1242 = arith.constant 1664 : index
      %get3A_1243 = tpu.vector_load %arg4[%get3A_1242] {strides = array<i32>} : memref<1760xf32, #tpu.memory_space<vmem>>, vector<16xf32>,
      %get3A_1244 = vector.shape_cast %get3A_1243 : vector<16xf32> to vector<16xf32>
      %mul3A_1245 = arith.mulf %gather3A_1241, %get3A_1244 : vector<16xf32>
      %add3A_1246 = arith.addf %add3A_1229, %mul3A_1245 : vector<16xf32>
      %broadcast_in_dim3A_1247 = arith.constant 3 : i32
      %broadcast_in_dim3A_1248 = vector.broadcast %broadcast_in_dim3A_1247 : i32 to vector<16xi32>
      %lt3A_1249 = arith.constant 0 : i32
      %lt3A_1250 = vector.broadcast %lt3A_1249 : i32 to vector<16xi32>
      %lt3A_1251 = arith.cmpi slt, %broadcast_in_dim3A_1248, %lt3A_1250 : vector<16xi32>
      %add3A_1252 = arith.constant 16 : i32
      %add3A_1253 = vector.broadcast %add3A_1252 : i32 to vector<16xi32>
      %add3A_1254 = arith.addi %broadcast_in_dim3A_1248, %add3A_1253 : vector<16xi32>
      %select_n3A_1255 = arith.select %lt3A_1251, %add3A_1254, %broadcast_in_dim3A_1248 : vector<16xi1>, vector<16xi32>
      %broadcast_in_dim3A_1256 = vector.shape_cast %select_n3A_1255 : vector<16xi32> to vector<16x1xi32>
      %gather3A_1257 = vector.shape_cast %broadcast_in_dim3A_1256 : vector<16x1xi32> to vector<16xi32>
      %gather3A_1258 = tpu.dynamic_gather %div3A_920[%gather3A_1257] in [0] : vector<16xf32>, vector<16xi32> -> vector<16xf32>
      %get3A_1259 = arith.constant 1680 : index
      %get3A_1260 = tpu.vector_load %arg4[%get3A_1259] {strides = array<i32>} : memref<1760xf32, #tpu.memory_space<vmem>>, vector<16xf32>,
      %get3A_1261 = vector.shape_cast %get3A_1260 : vector<16xf32> to vector<16xf32>
      %mul3A_1262 = arith.mulf %gather3A_1258, %get3A_1261 : vector<16xf32>
      %add3A_1263 = arith.addf %add3A_1246, %mul3A_1262 : vector<16xf32>
      %broadcast_in_dim3A_1264 = arith.constant 4 : i32
      %broadcast_in_dim3A_1265 = vector.broadcast %broadcast_in_dim3A_1264 : i32 to vector<16xi32>
      %lt3A_1266 = arith.constant 0 : i32
      %lt3A_1267 = vector.broadcast %lt3A_1266 : i32 to vector<16xi32>
      %lt3A_1268 = arith.cmpi slt, %broadcast_in_dim3A_1265, %lt3A_1267 : vector<16xi32>
      %add3A_1269 = arith.constant 16 : i32
      %add3A_1270 = vector.broadcast %add3A_1269 : i32 to vector<16xi32>
      %add3A_1271 = arith.addi %broadcast_in_dim3A_1265, %add3A_1270 : vector<16xi32>
      %select_n3A_1272 = arith.select %lt3A_1268, %add3A_1271, %broadcast_in_dim3A_1265 : vector<16xi1>, vector<16xi32>
      %broadcast_in_dim3A_1273 = vector.shape_cast %select_n3A_1272 : vector<16xi32> to vector<16x1xi32>
      %gather3A_1274 = vector.shape_cast %broadcast_in_dim3A_1273 : vector<16x1xi32> to vector<16xi32>
      %gather3A_1275 = tpu.dynamic_gather %div3A_920[%gather3A_1274] in [0] : vector<16xf32>, vector<16xi32> -> vector<16xf32>
      %get3A_1276 = arith.constant 1696 : index
      %get3A_1277 = tpu.vector_load %arg4[%get3A_1276] {strides = array<i32>} : memref<1760xf32, #tpu.memory_space<vmem>>, vector<16xf32>,
      %get3A_1278 = vector.shape_cast %get3A_1277 : vector<16xf32> to vector<16xf32>
      %mul3A_1279 = arith.mulf %gather3A_1275, %get3A_1278 : vector<16xf32>
      %add3A_1280 = arith.addf %add3A_1263, %mul3A_1279 : vector<16xf32>
      %broadcast_in_dim3A_1281 = arith.constant 5 : i32
      %broadcast_in_dim3A_1282 = vector.broadcast %broadcast_in_dim3A_1281 : i32 to vector<16xi32>
      %lt3A_1283 = arith.constant 0 : i32
      %lt3A_1284 = vector.broadcast %lt3A_1283 : i32 to vector<16xi32>
      %lt3A_1285 = arith.cmpi slt, %broadcast_in_dim3A_1282, %lt3A_1284 : vector<16xi32>
      %add3A_1286 = arith.constant 16 : i32
      %add3A_1287 = vector.broadcast %add3A_1286 : i32 to vector<16xi32>
      %add3A_1288 = arith.addi %broadcast_in_dim3A_1282, %add3A_1287 : vector<16xi32>
      %select_n3A_1289 = arith.select %lt3A_1285, %add3A_1288, %broadcast_in_dim3A_1282 : vector<16xi1>, vector<16xi32>
      %broadcast_in_dim3A_1290 = vector.shape_cast %select_n3A_1289 : vector<16xi32> to vector<16x1xi32>
      %gather3A_1291 = vector.shape_cast %broadcast_in_dim3A_1290 : vector<16x1xi32> to vector<16xi32>
      %gather3A_1292 = tpu.dynamic_gather %div3A_920[%gather3A_1291] in [0] : vector<16xf32>, vector<16xi32> -> vector<16xf32>
      %get3A_1293 = arith.constant 1712 : index
      %get3A_1294 = tpu.vector_load %arg4[%get3A_1293] {strides = array<i32>} : memref<1760xf32, #tpu.memory_space<vmem>>, vector<16xf32>,
      %get3A_1295 = vector.shape_cast %get3A_1294 : vector<16xf32> to vector<16xf32>
      %mul3A_1296 = arith.mulf %gather3A_1292, %get3A_1295 : vector<16xf32>
      %add3A_1297 = arith.addf %add3A_1280, %mul3A_1296 : vector<16xf32>
      %broadcast_in_dim3A_1298 = arith.constant 6 : i32
      %broadcast_in_dim3A_1299 = vector.broadcast %broadcast_in_dim3A_1298 : i32 to vector<16xi32>
      %lt3A_1300 = arith.constant 0 : i32
      %lt3A_1301 = vector.broadcast %lt3A_1300 : i32 to vector<16xi32>
      %lt3A_1302 = arith.cmpi slt, %broadcast_in_dim3A_1299, %lt3A_1301 : vector<16xi32>
      %add3A_1303 = arith.constant 16 : i32
      %add3A_1304 = vector.broadcast %add3A_1303 : i32 to vector<16xi32>
      %add3A_1305 = arith.addi %broadcast_in_dim3A_1299, %add3A_1304 : vector<16xi32>
      %select_n3A_1306 = arith.select %lt3A_1302, %add3A_1305, %broadcast_in_dim3A_1299 : vector<16xi1>, vector<16xi32>
      %broadcast_in_dim3A_1307 = vector.shape_cast %select_n3A_1306 : vector<16xi32> to vector<16x1xi32>
      %gather3A_1308 = vector.shape_cast %broadcast_in_dim3A_1307 : vector<16x1xi32> to vector<16xi32>
      %gather3A_1309 = tpu.dynamic_gather %div3A_920[%gather3A_1308] in [0] : vector<16xf32>, vector<16xi32> -> vector<16xf32>
      %get3A_1310 = arith.constant 1728 : index
      %get3A_1311 = tpu.vector_load %arg4[%get3A_1310] {strides = array<i32>} : memref<1760xf32, #tpu.memory_space<vmem>>, vector<16xf32>,
      %get3A_1312 = vector.shape_cast %get3A_1311 : vector<16xf32> to vector<16xf32>
      %mul3A_1313 = arith.mulf %gather3A_1309, %get3A_1312 : vector<16xf32>
      %add3A_1314 = arith.addf %add3A_1297, %mul3A_1313 : vector<16xf32>
      %broadcast_in_dim3A_1315 = arith.constant 7 : i32
      %broadcast_in_dim3A_1316 = vector.broadcast %broadcast_in_dim3A_1315 : i32 to vector<16xi32>
      %lt3A_1317 = arith.constant 0 : i32
      %lt3A_1318 = vector.broadcast %lt3A_1317 : i32 to vector<16xi32>
      %lt3A_1319 = arith.cmpi slt, %broadcast_in_dim3A_1316, %lt3A_1318 : vector<16xi32>
      %add3A_1320 = arith.constant 16 : i32
      %add3A_1321 = vector.broadcast %add3A_1320 : i32 to vector<16xi32>
      %add3A_1322 = arith.addi %broadcast_in_dim3A_1316, %add3A_1321 : vector<16xi32>
      %select_n3A_1323 = arith.select %lt3A_1319, %add3A_1322, %broadcast_in_dim3A_1316 : vector<16xi1>, vector<16xi32>
      %broadcast_in_dim3A_1324 = vector.shape_cast %select_n3A_1323 : vector<16xi32> to vector<16x1xi32>
      %gather3A_1325 = vector.shape_cast %broadcast_in_dim3A_1324 : vector<16x1xi32> to vector<16xi32>
      %gather3A_1326 = tpu.dynamic_gather %div3A_920[%gather3A_1325] in [0] : vector<16xf32>, vector<16xi32> -> vector<16xf32>
      %get3A_1327 = arith.constant 1744 : index
      %get3A_1328 = tpu.vector_load %arg4[%get3A_1327] {strides = array<i32>} : memref<1760xf32, #tpu.memory_space<vmem>>, vector<16xf32>,
      %get3A_1329 = vector.shape_cast %get3A_1328 : vector<16xf32> to vector<16xf32>
      %mul3A_1330 = arith.mulf %gather3A_1326, %get3A_1329 : vector<16xf32>
      %add3A_1331 = arith.addf %add3A_1314, %mul3A_1330 : vector<16xf32>
      %swap3A = arith.constant 0 : index
      %swap3A_1332 = tpu.vector_load %arg5[%swap3A] {strides = array<i32>} : memref<16xf32, #tpu.memory_space<vmem>>, vector<16xf32>,
      %swap3A_1333 = vector.shape_cast %swap3A_1332 : vector<16xf32> to vector<16xf32>
      %swap3A_1334 = vector.shape_cast %add3A_1331 : vector<16xf32> to vector<16xf32>
      tpu.vector_store %arg5[%swap3A], %swap3A_1334 {strides = array<i32>} : memref<16xf32, #tpu.memory_space<vmem>>, vector<16xf32>,
      "tpu.region"() ({
        %run_scoped3A = tpu.sem_alloc : memref<!tpu.dma_semaphore, #tpu.memory_space<semaphore_mem>>
        tpu.enqueue_dma source(%arg5 : memref<16xf32, #tpu.memory_space<vmem>>) target(%arg3 : memref<16xf32, #tpu.memory_space<hbm>>) target_semaphore(%run_scoped3A : memref<!tpu.dma_semaphore, #tpu.memory_space<semaphore_mem>>)
        tpu.wait_dma2 semaphore(%run_scoped3A : memref<!tpu.dma_semaphore, #tpu.memory_space<semaphore_mem>>) src(%arg5 : memref<16xf32, #tpu.memory_space<vmem>>) dst(%arg3 : memref<16xf32, #tpu.memory_space<hbm>>)
        tpu.yield
      }) : () -> ()
    } else {
    }
    return
  }
}

</mosaic_0001>

<sc_bundles>
// kernel: kernel.3.cloned.1.call-start
scs
__scs_entry_jumppad:
0x0: {  	(pc) =	sbr.rel $0x88, $3  }
0x1: {  	(tag) =	ssettag $0x0;
	lr =	simm.s32 $0x1  }
0x2: {  	[smem:$0x3F9C] =	sst lr;
	_ =	strace $0xD0000000  }
0x3: {  	_ = 	snop  }
0x4: {  	_ = 	snop  }
0x5: {  	_ = 	snop  }
0x6: {  	_ = 	snop  }
0x7: {  	_ = 	snop  }
__scs_overlays_trampoline_lowered:
0x8: {  	[smem:$0x3FAB] =	sst s0  }
0x9: {  	[smem:$0x3FAC] =	sst s1  }
0xa: {  	[smem:$0x3FAD] =	sst s2  }
0xb: {  	[smem:$0x3FAE] =	sst s3  }
0xc: {  	[smem:$0x3FAF] =	sst s4  }
0xd: {  	[smem:$0x3FB0] =	sst s5  }
0xe: {  	[smem:$0x3FB1] =	sst s6  }
0xf: {  	[smem:$0x3FB2] =	sst s7  }
0x10: {  	[smem:$0x3FB3] =	sst s8  }
0x11: {  	[smem:$0x3FB4] =	sst s9;
	s0 =	simm.s32 @!p0 $0x0  }
0x12: {  	s1 =	sld [smem:$0x3F9A];
	s0 =	simm.s32 @p0 $0x1  }
0x13: {  	[smem:$0x3FB5] =	sst s0;
	s0 =	simm.s32 @!p1 $0x0  }
0x14: {  	s2 =	sld [smem:$0x3F99];
	s0 =	simm.s32 @p1 $0x1  }
0x15: {  	[smem:$0x3FB6] =	sst s0;
	s0 =	simm.s32 @!p2 $0x0  }
0x16: {  	s3 =	sld [smem:$0x3FDB];
	s0 =	simm.s32 @p2 $0x1  }
0x17: {  	s4 =	simm.s32 $0x1BF5;
	[smem:$0x3FB8] =	sst s0  }
0x18: {  	s0 =	sld [smem:$0x3F9B];
	_ =	swait.ge [sflag:s4], $0x0  }
0x19: {  	s7 =	sld [smem:$0x3F9C]  }
0x1a: {  	s8 =	sadd.s32 $0xFFFFE003, lr  }
0x1b: {  	s9 =	sadd.s32 $0xFFFFFEF7, lr;
	s5 =	simm.s32 $0xFFFFFFFF;
	p2 =	slt.u32 s8, $0xFFFFF086  }
0x1c: {  	p1 =	slt.u32 s9, $0xF7A;
	s5 =	simm.s32 @!p2 $0x0  }
0x1d: {  	s5 =	simm.s32 @p1 $0x1;
	p0 =	seq.s32 s7, s2  }
0x1e: {  	s7 =	smul.u32 @!p0 $0xF7A, s2;
	p2 =	seq.s32 @!p0 s5, $0x0  }
0x1f: {  	s9 =	smul.u32 $0xF7A, s1;
	s8 =	simm.s32 @!p0 $0x1BF5;
	p2 =	por !p2, p0  }
0x20: {  	[sflag:s8] =	ssyncset.s32 @!p0 $0xFFFFF086;
	s6 =	sadd.s32 @!p0 s3, s7;
	s7 =	simm.s32 @!p0 $0x108  }
0x21: {  	s3 =	sadd.s32 s3, s9;
	s6 =	sadd.s32 @!p0 $0x88, s6;
	s7 =	simm.s32 @p2 $0x1082  }
0x22: {  	[simem:s7], [sflag:s8] =	dma.local @!p0 [hbm:s6], $0xF7A  }
0x23: {  	s9 =	sor.u32 $0xD0000000, s2;
	s6 =	simm.s32 $0x108;
	_ =	swait.ge @!p0 [sflag:s8], $0x0  }
0x24: {  	s3 =	sadd.s32 $0x88, s3;
	s6 =	simm.s32 @!p1 $0x1082;
	[sflag:s4] =	ssyncset.s32 $0xFFFFF086  }
0x25: {  	[simem:s6], [sflag:s4] =	dma.local [hbm:s3], $0xF7A  }
0x26: {  	[smem:$0x3F9C] =	sst s1;
	(tag) =	ssettag s2;
	_ =	strace s9  }
0x27: {  	s1 =	sld [smem:$0x3FAC]  }
0x28: {  	s2 =	sld [smem:$0x3FAD]  }
0x29: {  	s4 =	sld [smem:$0x3FAF]  }
0x2a: {  	p0 =	seq.s32 s5, $0x0;
	s5 =	sld [smem:$0x3FB0]  }
0x2b: {  	s6 =	sld [smem:$0x3FB1]  }
0x2c: {  	s7 =	sld [smem:$0x3FB2]  }
0x2d: {  	s3 =	simm.s32 $0x108;
	s8 =	sld [smem:$0x3FB3]  }
0x2e: {  	s3 =	simm.s32 @!p0 $0x1082;
	s9 =	sld [smem:$0x3FB4]  }
0x2f: {  	lr =	sadd.s32 s0, s3;
	s0 =	sld [smem:$0x3FAB]  }
0x30: {  	s3 =	sld [smem:$0x3FAE]  }
0x31: {  	[smem:$0x3FB7] =	sst s10  }
0x32: {  	s10 =	sld [smem:$0x3FB5];
	_ =	sdelay $0x3  }
0x33: {  	p0 =	seq.s32 s10, $0x1;
	s10 =	sld [smem:$0x3FB7];
	_ =	sdelay $0x3  }
0x34: {  	[smem:$0x3FB7] =	sst s10  }
0x35: {  	s10 =	sld [smem:$0x3FB6];
	_ =	sdelay $0x3  }
0x36: {  	p1 =	seq.s32 s10, $0x1;
	s10 =	sld [smem:$0x3FB7];
	_ =	sdelay $0x3  }
0x37: {  	[smem:$0x3FB7] =	sst s10  }
0x38: {  	s10 =	sld [smem:$0x3FB8]  }
0x39: {  	_ = 	snop;
	(pc) =	sbr.ind lr, $3  }
0x3a: {  	_ = 	snop  }
0x3b: {  	_ = 	snop  }
0x3c: {  	p2 =	seq.s32 s10, $0x1;
	s10 =	sld [smem:$0x3FB7]  }
0x3d: {  	_ =	shalt  }
0x3e: {  	_ =	shalt  }
0x3f: {  	_ =	shalt  }
0x40: {  	_ =	shalt  }
0x41: {  	_ =	shalt  }
0x42: {  	_ =	shalt  }
0x43: {  	_ =	shalt  }
0x44: {  	_ =	shalt  }
0x45: {  	_ =	shalt  }
0x46: {  	_ =	shalt  }
0x47: {  	_ =	shalt  }
0x48: {  	_ =	shalt  }
0x49: {  	_ =	shalt  }
0x4a: {  	_ =	shalt  }
0x4b: {  	_ =	shalt  }
0x4c: {  	_ =	shalt  }
0x4d: {  	_ =	shalt  }
0x4e: {  	_ =	shalt  }
0x4f: {  	_ =	shalt  }
0x50: {  	_ =	shalt  }
0x51: {  	_ =	shalt  }
0x52: {  	_ =	shalt  }
0x53: {  	_ =	shalt  }
0x54: {  	_ =	shalt  }
0x55: {  	_ =	shalt  }
0x56: {  	_ =	shalt  }
0x57: {  	_ =	shalt  }
0x58: {  	_ =	shalt  }
0x59: {  	_ =	shalt  }
0x5a: {  	_ =	shalt  }
0x5b: {  	_ =	shalt  }
0x5c: {  	_ =	shalt  }
0x5d: {  	_ =	shalt  }
0x5e: {  	_ =	shalt  }
0x5f: {  	_ =	shalt  }
0x60: {  	_ =	shalt  }
0x61: {  	_ =	shalt  }
0x62: {  	_ =	shalt  }
0x63: {  	_ =	shalt  }
0x64: {  	_ =	shalt  }
0x65: {  	_ =	shalt  }
0x66: {  	_ =	shalt  }
0x67: {  	_ =	shalt  }
0x68: {  	_ =	shalt  }
0x69: {  	_ =	shalt  }
0x6a: {  	_ =	shalt  }
0x6b: {  	_ =	shalt  }
0x6c: {  	_ =	shalt  }
0x6d: {  	_ =	shalt  }
0x6e: {  	_ =	shalt  }
0x6f: {  	_ =	shalt  }
0x70: {  	_ =	shalt  }
0x71: {  	_ =	shalt  }
0x72: {  	_ =	shalt  }
0x73: {  	_ =	shalt  }
0x74: {  	_ =	shalt  }
0x75: {  	_ =	shalt  }
0x76: {  	_ =	shalt  }
0x77: {  	_ =	shalt  }
0x78: {  	_ =	shalt  }
0x79: {  	_ =	shalt  }
0x7a: {  	_ =	shalt  }
0x7b: {  	_ =	shalt  }
0x7c: {  	_ =	shalt  }
0x7d: {  	_ =	shalt  }
0x7e: {  	_ =	shalt  }
0x7f: {  	_ =	shalt  }
0x80: {  	_ =	shalt  }
0x81: {  	_ =	shalt  }
0x82: {  	_ =	shalt  }
0x83: {  	_ =	shalt  }
0x84: {  	_ =	shalt  }
0x85: {  	_ =	shalt  }
0x86: {  	_ =	shalt  }
0x87: {  	_ =	shalt  }
.Lfunc_end0:
.L_simem_size_0:
called_computation_lowered:
.L_overlay_start_0:
0x88: {  	s2 =	sld [smem:$0x3FD9]  }
0x89: {  	s3 =	sld [smem:$0x3FFE];
	_ =	sdelay $0x1  }
0x8a: {  	s1 =	srdreg.scid  }
0x8b: {  	s0 =	sand.u32 $0x1, s1  }
0x8c: {  	s17 =	sshll.u32 s0, $0xA;
	s2 =	sadd.s32 s3, s2  }
0x8d: {  	s2 =	sadd.s32 s2, s17  }
0x8e: {  	[smem:$0x3FC3] =	sst s2  }
0x8f: {  	_ = 	snop  }
0x90: {  	s2 =	sld [smem:$0x3FD0];
	(tm) =	ssettm $0x1  }
0x91: {  	s18 =	sld [smem:$0x3FFB];
	_ =	sdelay $0x3  }
0x92: {  	_ =	strace s18  }
0x93: {  	s3 =	sld [smem:$0x3FFC];
	_ =	sdelay $0x3  }
0x94: {  	_ =	strace s3  }
0x95: {  	s3 =	sld [smem:$0x3FFD];
	_ =	sdelay $0x3  }
0x96: {  	_ =	strace s3  }
0x97: {  	_ =	strace $0x8FFFFFFF  }
0x98: {  	s19 =	sld [smem:$0x3FDB];
	_ =	sdelay $0x1  }
0x99: {  	s4 =	simm.s32 $_scs_section_size  }
0x9a: {  	s5 =	simm.s32 $_size__tile_overlayer_lowered;
	s6 =	simm.s32 $_tile_overlayer_lowered  }
0x9b: {  	s22 =	simm.s32 $0x1BFF;
	s21 =	sshll.u32 s6, $0x1;
	s3 =	sadd.s32 s4, s19  }
0x9c: {  	s7 =	simm.s32 $0x0;
	s20 =	sshll.u32 s5, $0x1;
	s5 =	sadd.s32 s21, s3  }
0x9d: {  	[timem:s7], [sflag:s22] =	dma.local [hbm:s5], s20  }
0x9e: {  	_ =	swait.ge [sflag:s22], s20  }
0x9f: {  	s4 =	ssub.s32 $0x0, s20;
	[sflag:s22] =	ssyncset.done $0x0  }
0xa0: {  	[sflag:s22] =	ssyncadd.s32 s4;
	_ =	sdelay $0x1  }
0xa1: {  	s23 =	simm.s32 $0x1B8B  }
0xa2: {  	_ =	swait.ge [sflag:s23], $0x1  }
0xa3: {  	[sflag:s23] =	ssyncset.done $0x0  }
0xa4: {  	s25 =	simm.s32 $0x1B8E;
	s24 =	sld [smem:$0x3FFE];
	[sflag:s23] =	ssyncadd.s32 $0xFFFFFFFF  }
0xa5: {  	s26 =	simm.s32 $execute0_lowered;
	[smem:$0x3FD2] =	sst s25  }
0xa6: {  	s5 =	sshll.u32 s26, $0x1;
	_ =	strace $0x80000046;
	[dreg:$0x1] =	wrdreg $0xFFFFFFFF  }
0xa7: {  	s28 =	simm.s32 $_size_execute0_lowered;
	s3 =	sadd.s32 s3, s5;
	[dreg:$0x0] =	wrdreg $0x0  }
0xa8: {  	s5 =	sshll.u32 s28, $0x1;
	[dreg:$0x2] =	wrdreg s3  }
0xa9: {  	[dreg:$0x3] =	wrdreg s5  }
0xaa: {  	[dreg:$0x4] =	wrdreg $0xC0  }
0xab: {  	_ =	task [dreg:s7], $0x5FFFF  }
0xac: {  	[dreg:$0x1] =	wrdreg $0xFFFFFFFF  }
0xad: {  	[dreg:$0x0] =	wrdreg $0x60  }
0xae: {  	[dreg:$0x2] =	wrdreg s24  }
0xaf: {  	[dreg:$0x3] =	wrdreg s2  }
0xb0: {  	[dreg:$0x4] =	wrdreg $0x9  }
0xb1: {  	_ =	task.clear_ibuf [dreg:s7], $0x5FFFF;
	_ =	strace $0x90000046  }
0xb2: {  	s29 =	simm.s32 $0x9;
	_ =	strace $0x80000048  }
0xb3: {  	_ =	swait.ge [sflag:s29], $0x1  }
0xb4: {  	[sflag:s29] =	ssyncadd.s32 $0xFFFFFFFF  }
0xb5: {  	_ =	strace $0x90000048  }
0xb6: {  	_ =	sfence  }
0xb7: {  	s30 =	sld [smem:$0x0];
	_ =	sdelay $0x2  }
0xb8: {  	s31 =	sshll.u32 s1, $0xD;
	s1 =	sshrl.u32 s1, $0x2  }
0xb9: {  	s3 =	sand.u32 $0x4000, s31;
	s1 =	sadd.s32 s1, s30  }
0xba: {  	s0 =	sor.u32 s3, s0;
	s1 =	sshll.u32 s1, $0x11  }
0xbb: {  	s0 =	sor.u32 s1, s0  }
0xbc: {  	s0 =	sadd.s32 $0x8F2B, s0  }
0xbd: {  	[sflag:s0] =	ssyncadd.remote.s32 $0x1  }
0xbe: {  	_ =	sfence.sel $0xFFFF  }
0xbf: {  	[dreg:$0x0] =	wrdreg $0xFFFFFFFF;
	(pc) =	sbr.abs _section_cstart, $3  }
0xc0: {  	[dreg:$0x1] =	wrdreg $0xFFFFFFFF  }
0xc1: {  	_ =	task.clear_ibuf [dreg:s7], $0x2FFFF;
	_ =	strace $0x9FFFFFFF  }
0xc2: {  	(tm) =	ssettm $0x7FFFFFFF  }
0xc3: {  	_ =	shalt  }
tec
execute0_lowered:
.L_overlay_start_1:
0x0: {  	(tag) =	ssettag $0x1  }
0x1: {  	s0 =	srdreg.scid  }
0x2: {  	s6 =	sand.u32 $0x1, s0;
	s0 =	stileid.u32  }
0x3: {  	s4 =	sor.u32 s0, s6  }
0x4: {  	p0 =	sne.s32 s4, $0x0  }
.Ltmp0:
0x5: {  	_ = 	snop;
	(pc) =	sbr.rel @p0 .LBB2_4-.Ltmp0, $4  }
0x6: {  	_ = 	snop  }
0x7: {  	s3 =	rddreg [dreg:$0x0]  }
0x8: {  	s2 =	rddreg [dreg:$0x1]  }
0x9: {  	s1 =	rddreg [dreg:$0x2];
	_ =	strace $0x80000047  }
0xa: {  	s3 =	sadd.s32 $0xA00, s3;
	s5 =	simm.s32 $0x0;
	s4 =	simm.s32 $0x1  }
0xb: {  	[tilespmem:s5], [sflag:$0x1] =	stream.linear.gather [hbm4b:s3+s5], $0x700, $0x38;
	[tilespmem:$0x780] =	vst v63  }
0xc: {  	_ =	swait.ge [sflag:s4], $0x700  }
0xd: {  	[sflag:s4] =	ssyncset.done $0x0  }
0xe: {  	[sflag:s4] =	ssyncadd.s32 $0xFFFFF900  }
0xf: {  	v16 =	vld [tilespmem:$0x0];
	_ =	sdelay $0x1  }
0x10: {  	v2 =	vld [tilespmem:$0x60]  }
0x11: {  	v3 =	vld [tilespmem:$0x80]  }
0x12: {  	v0 =	vimm.s32 $0x0;
	v4 =	vld [tilespmem:$0x10]  }
0x13: {  	v8 =	vperm.xlane v16, v0  }
0x14: {  	v1 =	vimm.s32 $0x1;
	v5 =	vld [tilespmem:$0xA0]  }
0x15: {  	v9 =	vperm.xlane v16, v1;
	v6 =	vmul.f32 v2, v8  }
0x16: {  	v7 =	vld [tilespmem:$0xC0];
	v2 =	vimm.s32 $0x2  }
0x17: {  	v10 =	vperm.xlane v16, v2;
	v4 =	vadd.f32 v6, v4;
	v6 =	vmul.f32 v3, v9  }
0x18: {  	v11 =	vld [tilespmem:$0xE0];
	v3 =	vimm.s32 $0x3  }
0x19: {  	v13 =	vld [tilespmem:$0x90];
	v12 =	vperm.xlane v16, v3;
	v5 =	vmul.f32 v5, v10;
	v6 =	vadd.f32 v6, v4  }
0x1a: {  	v14 =	vld [tilespmem:$0x100];
	v4 =	vimm.s32 $0x4  }
0x1b: {  	v17 =	vld [tilespmem:$0x70];
	v15 =	vperm.xlane v16, v4;
	v7 =	vmul.f32 v7, v12;
	v6 =	vadd.f32 v5, v6  }
0x1c: {  	v18 =	vld [tilespmem:$0x120];
	v5 =	vimm.s32 $0x5  }
0x1d: {  	v20 =	vld [tilespmem:$0x20];
	v19 =	vperm.xlane v16, v5;
	v11 =	vmul.f32 v11, v15;
	v7 =	vadd.f32 v7, v6  }
0x1e: {  	v21 =	vld [tilespmem:$0x140];
	v6 =	vimm.s32 $0x6  }
0x1f: {  	v22 =	vld [tilespmem:$0xB0];
	v23 =	vperm.xlane v16, v6;
	v14 =	vmul.f32 v14, v19;
	v11 =	vadd.f32 v11, v7  }
0x20: {  	v24 =	vld [tilespmem:$0x160];
	v17 =	vmul.f32 v17, v8;
	v7 =	vimm.s32 $0x7  }
0x21: {  	v26 =	vld [tilespmem:$0xD0];
	v25 =	vperm.xlane v16, v7;
	v11 =	vadd.f32 v14, v11;
	v14 =	vmul.f32 v18, v23  }
0x22: {  	v46 =	vld [tilespmem:$0x180];
	v8 =	vimm.s32 $0x8;
	v13 =	vmul.f32 v13, v9;
	v17 =	vadd.f32 v17, v20  }
0x23: {  	v27 =	vld [tilespmem:$0xF0];
	v47 =	vperm.xlane v16, v8;
	v11 =	vadd.f32 v14, v11;
	v14 =	vmul.f32 v21, v25  }
0x24: {  	v9 =	vimm.s32 $0x9;
	v48 =	vmul.f32 v22, v10;
	v13 =	vadd.f32 v13, v17;
	v17 =	vld [tilespmem:$0x1A0]  }
0x25: {  	v49 =	vld [tilespmem:$0x110];
	v28 =	vperm.xlane v16, v9;
	v11 =	vadd.f32 v14, v11;
	v14 =	vmul.f32 v24, v47  }
0x26: {  	v50 =	vld [tilespmem:$0x1C0];
	v10 =	vimm.s32 $0xA;
	v12 =	vmul.f32 v26, v12;
	v13 =	vadd.f32 v48, v13  }
0x27: {  	v52 =	vld [tilespmem:$0x130];
	v51 =	vperm.xlane v16, v10;
	v18 =	vmul.f32 v46, v28;
	v14 =	vadd.f32 v14, v11  }
0x28: {  	v53 =	vld [tilespmem:$0x1E0];
	v15 =	vmul.f32 v27, v15;
	v13 =	vadd.f32 v12, v13;
	v11 =	vimm.s32 $0xB  }
0x29: {  	v30 =	vld [tilespmem:$0x150];
	v17 =	vmul.f32 v17, v51;
	v29 =	vperm.xlane v16, v11;
	v14 =	vadd.f32 v18, v14  }
0x2a: {  	v55 =	vld [tilespmem:$0x200];
	v12 =	vimm.s32 $0xC;
	v54 =	vmul.f32 v49, v19;
	v15 =	vadd.f32 v15, v13  }
0x2b: {  	v31 =	vld [tilespmem:$0x170];
	v56 =	vperm.xlane v16, v12;
	v14 =	vadd.f32 v17, v14;
	v17 =	vmul.f32 v50, v29  }
0x2c: {  	v58 =	vld [tilespmem:$0x220];
	v13 =	vimm.s32 $0xD;
	v57 =	vmul.f32 v52, v23;
	v15 =	vadd.f32 v54, v15  }
0x2d: {  	v60 =	vld [tilespmem:$0x190];
	v59 =	vperm.xlane v16, v13;
	v27 =	vmul.f32 v53, v56;
	v17 =	vadd.f32 v17, v14  }
0x2e: {  	v61 =	vld [tilespmem:$0x240];
	v25 =	vmul.f32 v30, v25;
	v21 =	vadd.f32 v57, v15;
	v14 =	vimm.s32 $0xE  }
0x2f: {  	v33 =	vld [tilespmem:$0x1B0];
	v19 =	vmul.f32 v55, v59;
	v32 =	vperm.xlane v16, v14;
	v17 =	vadd.f32 v27, v17  }
0x30: {  	v20 =	vmul.f32 v31, v47;
	v15 =	vimm.s32 $0xF;
	v21 =	vadd.f32 v25, v21  }
0x31: {  	v62 =	vld [tilespmem:$0x1D0];
	v16 =	vperm.xlane v16, v15;
	v18 =	vmul.f32 v58, v32;
	v17 =	vadd.f32 v19, v17  }
0x32: {  	v63 =	vmul.f32 v60, v28;
	v20 =	vadd.f32 v20, v21  }
0x33: {  	v28 =	vld [tilespmem:$0x1F0];
	v30 =	vmul.f32 v61, v16;
	v17 =	vadd.f32 v18, v17  }
0x34: {  	v24 =	vmul.f32 v33, v51;
	v19 =	vadd.f32 v63, v20  }
0x35: {  	v31 =	vld [tilespmem:$0x210];
	v17 =	vadd.f32 v30, v17  }
0x36: {  	v33 =	vmul.f32 v62, v29;
	v19 =	vadd.f32 v24, v19  }
0x37: {  	v34 =	vld [tilespmem:$0x230];
	v35 =	vsub.f32 $0.0e+00, v17  }
0x38: {  	v36 =	vmul.f32 v28, v56;
	v18 =	vadd.f32 v33, v19  }
0x39: {  	v37 =	vld [tilespmem:$0x250];
	v38 =	vmul.f32 $1.442695020e+00, v35  }
0x3a: {  	v39 =	vmul.f32 v31, v59;
	v18 =	vadd.f32 v36, v18  }
0x3b: {  	(erf) = vpow2.f32 v38  }
0x3c: {  	v40 =	vmul.f32 v34, v32;
	v18 =	vadd.f32 v39, v18;
	_ =	sdelay $0x1  }
0x3d: {  	v16 =	vmul.f32 v37, v16;
	v18 =	vadd.f32 v40, v18;
	_ =	sdelay $0x1  }
0x3e: {  	v16 =	vadd.f32 v16, v18;
	_ =	sdelay $0x1  }
0x3f: {  	v18 =	vsub.f32 $0.0e+00, v16;
	_ =	sdelay $0x1  }
0x40: {  	v18 =	vmul.f32 $1.442695020e+00, v18;
	v41 =	vpop (erf)  }
0x41: {  	v19 =	vadd.f32 $1.000000000e+00, v41  }
0x42: {  	(erf) = vpow2.f32 v18  }
0x43: {  	(erf) = vrcp.f32 v19;
	_ =	sdelay $0x7  }
0x44: {  	v18 =	vpop (erf)  }
0x45: {  	v42 =	vld [tilespmem:$0x260];
	v43 =	vpop (erf)  }
0x46: {  	v44 =	vld [tilespmem:$0x280];
	v17 =	vmul.f32 v43, v17  }
0x47: {  	v45 =	vld [tilespmem:$0x30]  }
0x48: {  	v46 =	vperm.xlane v17, v0  }
0x49: {  	v47 =	vld [tilespmem:$0x2A0]  }
0x4a: {  	v48 =	vperm.xlane v17, v1;
	v19 =	vmul.f32 v42, v46  }
0x4b: {  	v49 =	vld [tilespmem:$0x2C0]  }
0x4c: {  	v50 =	vperm.xlane v17, v2;
	v20 =	vmul.f32 v44, v48;
	v19 =	vadd.f32 v19, v45  }
0x4d: {  	v51 =	vld [tilespmem:$0x2E0]  }
0x4e: {  	v53 =	vld [tilespmem:$0x290];
	v52 =	vperm.xlane v17, v3;
	v54 =	vmul.f32 v47, v50;
	v19 =	vadd.f32 v20, v19  }
0x4f: {  	v55 =	vld [tilespmem:$0x300]  }
0x50: {  	v57 =	vld [tilespmem:$0x270];
	v56 =	vperm.xlane v17, v4;
	v58 =	vmul.f32 v49, v52;
	v19 =	vadd.f32 v54, v19  }
0x51: {  	v59 =	vld [tilespmem:$0x320]  }
0x52: {  	v61 =	vld [tilespmem:$0x40];
	v60 =	vperm.xlane v17, v5;
	v62 =	vmul.f32 v51, v56;
	v19 =	vadd.f32 v58, v19  }
0x53: {  	v63 =	vld [tilespmem:$0x340]  }
0x54: {  	v34 =	vld [tilespmem:$0x2B0];
	v36 =	vperm.xlane v17, v6;
	v37 =	vmul.f32 v55, v60;
	v19 =	vadd.f32 v62, v19  }
0x55: {  	v38 =	vld [tilespmem:$0x360];
	v22 =	vmul.f32 v57, v46  }
0x56: {  	v35 =	vld [tilespmem:$0x2D0];
	v39 =	vperm.xlane v17, v7;
	v40 =	vmul.f32 v59, v36;
	v19 =	vadd.f32 v37, v19  }
0x57: {  	v41 =	vld [tilespmem:$0x380];
	v24 =	vmul.f32 v53, v48;
	v22 =	vadd.f32 v22, v61  }
0x58: {  	v28 =	vperm.xlane v17, v8;
	v42 =	vld [tilespmem:$0x2F0];
	v43 =	vmul.f32 v63, v39;
	v19 =	vadd.f32 v40, v19  }
0x59: {  	v18 =	vadd.f32 $1.000000000e+00, v18;
	v46 =	vld [tilespmem:$0x3A0];
	v45 =	vmul.f32 v34, v50;
	v44 =	vadd.f32 v24, v22  }
0x5a: {  	v26 =	vperm.xlane v17, v9;
	v47 =	vld [tilespmem:$0x310];
	v48 =	vmul.f32 v38, v28;
	v19 =	vadd.f32 v43, v19  }
0x5b: {  	(erf) = vrcp.f32 v18;
	v51 =	vld [tilespmem:$0x3C0];
	v50 =	vmul.f32 v35, v52;
	v49 =	vadd.f32 v45, v44  }
0x5c: {  	v23 =	vperm.xlane v17, v10;
	v53 =	vmul.f32 v41, v26;
	v52 =	vld [tilespmem:$0x330];
	v19 =	vadd.f32 v48, v19  }
0x5d: {  	v55 =	vld [tilespmem:$0x3E0];
	v54 =	vmul.f32 v42, v56;
	v18 =	vadd.f32 v50, v49  }
0x5e: {  	v57 =	vld [tilespmem:$0x350];
	v56 =	vperm.xlane v17, v11;
	v58 =	vmul.f32 v46, v23;
	v19 =	vadd.f32 v53, v19  }
0x5f: {  	v59 =	vmul.f32 v47, v60;
	v60 =	vld [tilespmem:$0x400];
	v18 =	vadd.f32 v54, v18  }
0x60: {  	v31 =	vperm.xlane v17, v12;
	v61 =	vld [tilespmem:$0x370];
	v62 =	vmul.f32 v51, v56;
	v19 =	vadd.f32 v58, v19  }
0x61: {  	v63 =	vmul.f32 v52, v36;
	v36 =	vld [tilespmem:$0x420];
	v18 =	vadd.f32 v59, v18  }
0x62: {  	v27 =	vperm.xlane v17, v13;
	v38 =	vmul.f32 v55, v31;
	v37 =	vld [tilespmem:$0x390];
	v19 =	vadd.f32 v62, v19  }
0x63: {  	v39 =	vmul.f32 v57, v39;
	v18 =	vadd.f32 v63, v18;
	v40 =	vld [tilespmem:$0x440]  }
0x64: {  	v30 =	vperm.xlane v17, v14;
	v41 =	vld [tilespmem:$0x3B0];
	v42 =	vmul.f32 v60, v27;
	v19 =	vadd.f32 v38, v19  }
0x65: {  	v17 =	vperm.xlane v17, v15;
	v45 =	vld [tilespmem:$0x460];
	v44 =	vmul.f32 v61, v28;
	v43 =	vpop (erf);
	v18 =	vadd.f32 v39, v18  }
0x66: {  	v46 =	vld [tilespmem:$0x3D0];
	v47 =	vmul.f32 v36, v30;
	v16 =	vmul.f32 v43, v16;
	v19 =	vadd.f32 v42, v19  }
0x67: {  	v49 =	vld [tilespmem:$0x480];
	v18 =	vadd.f32 v44, v18;
	v48 =	vmul.f32 v37, v26  }
0x68: {  	v50 =	vld [tilespmem:$0x3F0];
	v26 =	vperm.xlane v16, v0;
	v51 =	vmul.f32 v40, v17;
	v19 =	vadd.f32 v47, v19  }
0x69: {  	v52 =	vmul.f32 v41, v23;
	v18 =	vadd.f32 v48, v18;
	v53 =	vld [tilespmem:$0x4A0]  }
0x6a: {  	v54 =	vld [tilespmem:$0x410];
	v25 =	vperm.xlane v16, v1;
	v55 =	vmul.f32 v45, v26;
	v19 =	vadd.f32 v51, v19  }
0x6b: {  	v57 =	vld [tilespmem:$0x4C0];
	v56 =	vmul.f32 v46, v56;
	v18 =	vadd.f32 v52, v18  }
0x6c: {  	v59 =	vld [tilespmem:$0x430];
	v60 =	vmul.f32 v49, v25;
	v58 =	vperm.xlane v16, v2;
	v19 =	vadd.f32 v55, v19  }
0x6d: {  	v61 =	vmul.f32 v50, v31;
	v18 =	vadd.f32 v56, v18;
	v62 =	vld [tilespmem:$0x4E0]  }
0x6e: {  	v36 =	vld [tilespmem:$0x450];
	v63 =	vperm.xlane v16, v3;
	v37 =	vmul.f32 v53, v58;
	v19 =	vadd.f32 v60, v19  }
0x6f: {  	v39 =	vld [tilespmem:$0x500];
	v18 =	vadd.f32 v61, v18;
	v38 =	vmul.f32 v54, v27  }
0x70: {  	v41 =	vld [tilespmem:$0x470];
	v40 =	vperm.xlane v16, v4;
	v42 =	vmul.f32 v57, v63;
	v19 =	vadd.f32 v37, v19  }
0x71: {  	v43 =	vmul.f32 v59, v30;
	v44 =	vld [tilespmem:$0x520];
	v18 =	vadd.f32 v38, v18  }
0x72: {  	v46 =	vld [tilespmem:$0x490];
	v45 =	vperm.xlane v16, v5;
	v47 =	vmul.f32 v62, v40;
	v19 =	vadd.f32 v42, v19  }
0x73: {  	v17 =	vmul.f32 v36, v17;
	v48 =	vld [tilespmem:$0x540];
	v18 =	vadd.f32 v43, v18  }
0x74: {  	v50 =	vld [tilespmem:$0x4B0];
	v49 =	vperm.xlane v16, v6;
	v51 =	vmul.f32 v39, v45;
	v19 =	vadd.f32 v47, v19  }
0x75: {  	v52 =	vmul.f32 v41, v26;
	v17 =	vadd.f32 v17, v18  }
0x76: {  	v16 =	vperm.xlane v16, v7;
	v53 =	vld [tilespmem:$0x4D0];
	v54 =	vmul.f32 v44, v49;
	v19 =	vadd.f32 v51, v19  }
0x77: {  	v17 =	vadd.f32 v52, v17;
	v55 =	vmul.f32 v46, v25  }
0x78: {  	v56 =	vld [tilespmem:$0x4F0];
	v57 =	vmul.f32 v48, v16;
	v19 =	vadd.f32 v54, v19  }
0x79: {  	v58 =	vmul.f32 v50, v58;
	v17 =	vadd.f32 v55, v17  }
0x7a: {  	v59 =	vld [tilespmem:$0x510];
	v19 =	vadd.f32 v57, v19  }
0x7b: {  	v60 =	vmul.f32 v53, v63;
	v17 =	vadd.f32 v58, v17  }
0x7c: {  	v61 =	vld [tilespmem:$0x530];
	v62 =	vsub.f32 $0.0e+00, v19  }
0x7d: {  	v63 =	vmul.f32 v56, v40;
	v17 =	vadd.f32 v60, v17  }
0x7e: {  	v28 =	vld [tilespmem:$0x550];
	v23 =	vmul.f32 $1.442695020e+00, v62  }
0x7f: {  	v30 =	vmul.f32 v59, v45;
	v17 =	vadd.f32 v63, v17  }
0x80: {  	(erf) = vpow2.f32 v23  }
0x81: {  	v31 =	vmul.f32 v61, v49;
	v17 =	vadd.f32 v30, v17;
	_ =	sdelay $0x1  }
0x82: {  	v16 =	vmul.f32 v28, v16;
	v17 =	vadd.f32 v31, v17;
	_ =	sdelay $0x1  }
0x83: {  	v16 =	vadd.f32 v16, v17;
	_ =	sdelay $0x1  }
0x84: {  	v17 =	vsub.f32 $0.0e+00, v16;
	_ =	sdelay $0x1  }
0x85: {  	v17 =	vmul.f32 $1.442695020e+00, v17;
	v32 =	vpop (erf)  }
0x86: {  	v18 =	vadd.f32 $1.000000000e+00, v32  }
0x87: {  	(erf) = vpow2.f32 v17  }
0x88: {  	(erf) = vrcp.f32 v18;
	_ =	sdelay $0x7  }
0x89: {  	v17 =	vpop (erf)  }
0x8a: {  	v33 =	vld [tilespmem:$0x560];
	v34 =	vpop (erf)  }
0x8b: {  	v35 =	vld [tilespmem:$0x570];
	v19 =	vmul.f32 v34, v19  }
0x8c: {  	v36 =	vld [tilespmem:$0x50]  }
0x8d: {  	v37 =	vperm.xlane v19, v0  }
0x8e: {  	v38 =	vld [tilespmem:$0x580]  }
0x8f: {  	v39 =	vperm.xlane v19, v1;
	v18 =	vmul.f32 v33, v37  }
0x90: {  	v40 =	vld [tilespmem:$0x590]  }
0x91: {  	v41 =	vperm.xlane v19, v2;
	v20 =	vmul.f32 v35, v39;
	v18 =	vadd.f32 v18, v36  }
0x92: {  	v42 =	vld [tilespmem:$0x5A0]  }
0x93: {  	v43 =	vperm.xlane v19, v3;
	v44 =	vmul.f32 v38, v41;
	v18 =	vadd.f32 v20, v18  }
0x94: {  	v45 =	vld [tilespmem:$0x5B0]  }
0x95: {  	v46 =	vperm.xlane v19, v4;
	v47 =	vmul.f32 v40, v43;
	v18 =	vadd.f32 v44, v18  }
0x96: {  	v48 =	vld [tilespmem:$0x5C0]  }
0x97: {  	v49 =	vperm.xlane v19, v5;
	v50 =	vmul.f32 v42, v46;
	v18 =	vadd.f32 v47, v18  }
0x98: {  	v51 =	vld [tilespmem:$0x5D0]  }
0x99: {  	v52 =	vperm.xlane v19, v6;
	v53 =	vmul.f32 v45, v49;
	v18 =	vadd.f32 v50, v18  }
0x9a: {  	v54 =	vld [tilespmem:$0x5E0]  }
0x9b: {  	v55 =	vperm.xlane v19, v7;
	v56 =	vmul.f32 v48, v52;
	v18 =	vadd.f32 v53, v18  }
0x9c: {  	v57 =	vld [tilespmem:$0x5F0]  }
0x9d: {  	v58 =	vperm.xlane v19, v8;
	v59 =	vmul.f32 v51, v55;
	v18 =	vadd.f32 v56, v18  }
0x9e: {  	v60 =	vld [tilespmem:$0x600];
	v17 =	vadd.f32 $1.000000000e+00, v17  }
0x9f: {  	v61 =	vperm.xlane v19, v9;
	v62 =	vmul.f32 v54, v58;
	v18 =	vadd.f32 v59, v18  }
0xa0: {  	(erf) = vrcp.f32 v17;
	v17 =	vld [tilespmem:$0x610]  }
0xa1: {  	v63 =	vperm.xlane v19, v10;
	v28 =	vmul.f32 v57, v61;
	v18 =	vadd.f32 v62, v18  }
0xa2: {  	v29 =	vld [tilespmem:$0x620]  }
0xa3: {  	v30 =	vperm.xlane v19, v11;
	v31 =	vmul.f32 v60, v63;
	v18 =	vadd.f32 v28, v18  }
0xa4: {  	v32 =	vld [tilespmem:$0x630]  }
0xa5: {  	v33 =	vperm.xlane v19, v12;
	v17 =	vmul.f32 v17, v30;
	v18 =	vadd.f32 v31, v18  }
0xa6: {  	v34 =	vld [tilespmem:$0x640]  }
0xa7: {  	v35 =	vperm.xlane v19, v13;
	v36 =	vmul.f32 v29, v33;
	v17 =	vadd.f32 v17, v18  }
0xa8: {  	v37 =	vld [tilespmem:$0x650]  }
0xa9: {  	v38 =	vperm.xlane v19, v14;
	v39 =	vmul.f32 v32, v35;
	v17 =	vadd.f32 v36, v17  }
0xaa: {  	v40 =	vpop (erf);
	v19 =	vperm.xlane v19, v15;
	v41 =	vld [tilespmem:$0x660]  }
0xab: {  	v16 =	vmul.f32 v40, v16;
	v42 =	vmul.f32 v34, v38;
	v17 =	vadd.f32 v39, v17  }
0xac: {  	v43 =	vld [tilespmem:$0x670]  }
0xad: {  	v21 =	vperm.xlane v16, v0;
	v44 =	vmul.f32 v37, v19;
	v17 =	vadd.f32 v42, v17  }
0xae: {  	v45 =	vld [tilespmem:$0x680]  }
0xaf: {  	v46 =	vperm.xlane v16, v1;
	v47 =	vmul.f32 v41, v21;
	v17 =	vadd.f32 v44, v17  }
0xb0: {  	v48 =	vld [tilespmem:$0x690]  }
0xb1: {  	v49 =	vmul.f32 v43, v46;
	v50 =	vperm.xlane v16, v2;
	v17 =	vadd.f32 v47, v17  }
0xb2: {  	v51 =	vld [tilespmem:$0x6A0]  }
0xb3: {  	v52 =	vperm.xlane v16, v3;
	v53 =	vmul.f32 v45, v50;
	v17 =	vadd.f32 v49, v17  }
0xb4: {  	v54 =	vld [tilespmem:$0x6B0]  }
0xb5: {  	v55 =	vperm.xlane v16, v4;
	v56 =	vmul.f32 v48, v52;
	v17 =	vadd.f32 v53, v17  }
0xb6: {  	v57 =	vld [tilespmem:$0x6C0]  }
0xb7: {  	v58 =	vperm.xlane v16, v5;
	v59 =	vmul.f32 v51, v55;
	v17 =	vadd.f32 v56, v17  }
0xb8: {  	v60 =	vld [tilespmem:$0x6D0]  }
0xb9: {  	v61 =	vperm.xlane v16, v6;
	v62 =	vmul.f32 v54, v58;
	v17 =	vadd.f32 v59, v17;
	_ =	sdelay $0x1  }
0xba: {  	v63 =	vmul.f32 v57, v61;
	v16 =	vperm.xlane v16, v7;
	v17 =	vadd.f32 v62, v17  }
0xbb: {  	s6 =	ssub.s32 $0x2, s6  }
0xbc: {  	s7 =	sshrl.u32 s6, $0x1;
	v16 =	vmul.f32 v60, v16;
	v17 =	vadd.f32 v63, v17  }
0xbd: {  	s7 =	ssub.s32 s6, s7  }
0xbe: {  	p0 =	sne.s32 s7, $0x1;
	v16 =	vadd.f32 v16, v17  }
.Ltmp1:
0xbf: {  	_ = 	snop;
	(pc) =	sbr.rel @!p0 .LBB2_3-.Ltmp1, $4  }
0xc0: {  	s6 =	simm.s32 $0x700;
	[tilespmem:$0x700] =	vst v16  }
0xc1: {  	[hbm4b:s2+s5] =	stream.linear.scatter [tilespmem:s6], [sflag:$0x1], $0x80, $0x38;
	[tilespmem:$0x780] =	vst v63  }
0xc2: {  	_ =	swait.ge [sflag:s4], $0x80  }
0xc3: {  	s7 =	sadd.s32 $0xFFFFFFFF, s7;
	[sflag:s4] =	ssyncset.done $0x0  }
.LBB2_2:
0xc4: {  	p0 =	sne.s32 s7, $0x1;
	s7 =	sadd.s32 $0xFFFFFFFF, s7;
	[sflag:s4] =	ssyncadd.s32 $0xFFFFFF80  }
0xc5: {  	[tilespmem:s5], [sflag:$0x1] =	stream.linear.gather [hbm4b:s3+s5], $0x700, $0x38;
	[tilespmem:$0x780] =	vst v63  }
0xc6: {  	_ =	swait.ge [sflag:s4], $0x700  }
0xc7: {  	[sflag:s4] =	ssyncset.done $0x0  }
0xc8: {  	[sflag:s4] =	ssyncadd.s32 $0xFFFFF900  }
0xc9: {  	v16 =	vld [tilespmem:$0x0]  }
0xca: {  	v17 =	vld [tilespmem:$0xB0]  }
0xcb: {  	v18 =	vld [tilespmem:$0x60]  }
0xcc: {  	v19 =	vld [tilespmem:$0x80]  }
0xcd: {  	v20 =	vld [tilespmem:$0x10]  }
0xce: {  	v21 =	vperm.xlane v16, v0;
	v22 =	vperm.xlane v16, v1;
	v23 =	vld [tilespmem:$0x110]  }
0xcf: {  	v24 =	vperm.xlane v16, v2;
	v26 =	vperm.xlane v16, v3;
	v25 =	vld [tilespmem:$0xA0]  }
0xd0: {  	v28 =	vperm.xlane v16, v4;
	v18 =	vmul.f32 v18, v21;
	v27 =	vld [tilespmem:$0x90]  }
0xd1: {  	v30 =	vperm.xlane v16, v5;
	v31 =	vperm.xlane v16, v6;
	v29 =	vld [tilespmem:$0xC0]  }
0xd2: {  	v32 =	vperm.xlane v16, v7;
	v19 =	vmul.f32 v19, v22;
	v18 =	vadd.f32 v18, v20;
	v20 =	vld [tilespmem:$0x70]  }
0xd3: {  	v34 =	vperm.xlane v16, v8;
	v35 =	vperm.xlane v16, v9;
	v33 =	vld [tilespmem:$0xE0]  }
0xd4: {  	v36 =	vld [tilespmem:$0x20];
	v18 =	vadd.f32 v19, v18;
	v19 =	vmul.f32 v25, v24;
	v25 =	vperm.xlane v16, v10  }
0xd5: {  	v38 =	vperm.xlane v16, v11;
	v39 =	vperm.xlane v16, v12;
	v37 =	vld [tilespmem:$0x100]  }
0xd6: {  	v40 =	vperm.xlane v16, v13;
	v18 =	vadd.f32 v19, v18;
	v19 =	vmul.f32 v29, v26;
	v29 =	vld [tilespmem:$0x170]  }
0xd7: {  	v42 =	vperm.xlane v16, v14;
	v16 =	vperm.xlane v16, v15;
	v41 =	vld [tilespmem:$0x120]  }
0xd8: {  	v20 =	vmul.f32 v20, v21;
	v18 =	vadd.f32 v19, v18;
	v19 =	vld [tilespmem:$0xD0];
	v21 =	vmul.f32 v33, v28  }
0xd9: {  	v17 =	vmul.f32 v17, v24;
	v22 =	vmul.f32 v27, v22;
	v24 =	vld [tilespmem:$0x140]  }
0xda: {  	v20 =	vadd.f32 v20, v36;
	v18 =	vadd.f32 v21, v18;
	v21 =	vld [tilespmem:$0xF0];
	v27 =	vmul.f32 v37, v30  }
0xdb: {  	v23 =	vmul.f32 v23, v30;
	v30 =	vld [tilespmem:$0x160];
	v29 =	vmul.f32 v29, v34  }
0xdc: {  	v20 =	vadd.f32 v22, v20;
	v18 =	vadd.f32 v27, v18;
	v22 =	vmul.f32 v41, v31  }
0xdd: {  	v19 =	vmul.f32 v19, v26;
	v26 =	vld [tilespmem:$0x180]  }
0xde: {  	v17 =	vadd.f32 v17, v20;
	v18 =	vadd.f32 v22, v18;
	v20 =	vld [tilespmem:$0x130];
	v22 =	vmul.f32 v24, v32  }
0xdf: {  	v21 =	vmul.f32 v21, v28;
	v24 =	vld [tilespmem:$0x1A0]  }
0xe0: {  	v17 =	vadd.f32 v19, v17;
	v18 =	vadd.f32 v22, v18;
	v19 =	vld [tilespmem:$0x150];
	v22 =	vmul.f32 v30, v34  }
0xe1: {  	v27 =	vld [tilespmem:$0x1C0]  }
0xe2: {  	v17 =	vadd.f32 v21, v17;
	v18 =	vadd.f32 v22, v18;
	v21 =	vmul.f32 v26, v35  }
0xe3: {  	v20 =	vmul.f32 v20, v31;
	v22 =	vld [tilespmem:$0x1E0]  }
0xe4: {  	v17 =	vadd.f32 v23, v17;
	v18 =	vadd.f32 v21, v18;
	v21 =	vld [tilespmem:$0x190];
	v23 =	vmul.f32 v24, v25  }
0xe5: {  	v19 =	vmul.f32 v19, v32;
	v24 =	vld [tilespmem:$0x200]  }
0xe6: {  	v17 =	vadd.f32 v20, v17;
	v18 =	vadd.f32 v23, v18;
	v20 =	vld [tilespmem:$0x1B0];
	v23 =	vmul.f32 v27, v38  }
0xe7: {  	v26 =	vld [tilespmem:$0x220]  }
0xe8: {  	v17 =	vadd.f32 v19, v17;
	v18 =	vadd.f32 v23, v18;
	v19 =	vld [tilespmem:$0x1D0];
	v22 =	vmul.f32 v22, v39  }
0xe9: {  	v21 =	vmul.f32 v21, v35;
	v23 =	vld [tilespmem:$0x240]  }
0xea: {  	v17 =	vadd.f32 v29, v17;
	v18 =	vadd.f32 v22, v18;
	v22 =	vmul.f32 v24, v40  }
0xeb: {  	v20 =	vmul.f32 v20, v25;
	v24 =	vld [tilespmem:$0x1F0]  }
0xec: {  	v17 =	vadd.f32 v21, v17;
	v18 =	vadd.f32 v22, v18;
	v21 =	vmul.f32 v26, v42  }
0xed: {  	v19 =	vmul.f32 v19, v38;
	v22 =	vld [tilespmem:$0x210]  }
0xee: {  	v17 =	vadd.f32 v20, v17;
	v18 =	vadd.f32 v21, v18;
	v20 =	vmul.f32 v23, v16  }
0xef: {  	v21 =	vld [tilespmem:$0x230]  }
0xf0: {  	v17 =	vadd.f32 v19, v17;
	v19 =	vmul.f32 v24, v39;
	v18 =	vadd.f32 v20, v18  }
0xf1: {  	v20 =	vld [tilespmem:$0x250]  }
0xf2: {  	v17 =	vadd.f32 v19, v17;
	v19 =	vmul.f32 v22, v40;
	v22 =	vsub.f32 $0.0e+00, v18;
	_ =	sdelay $0x1  }
0xf3: {  	v17 =	vadd.f32 v19, v17;
	v19 =	vmul.f32 v21, v42;
	v21 =	vmul.f32 $1.442695020e+00, v22;
	_ =	sdelay $0x1  }
0xf4: {  	v17 =	vadd.f32 v19, v17;
	v16 =	vmul.f32 v20, v16;
	(erf) = vpow2.f32 v21;
	_ =	sdelay $0x1  }
0xf5: {  	v16 =	vadd.f32 v16, v17;
	_ =	sdelay $0x1  }
0xf6: {  	v17 =	vsub.f32 $0.0e+00, v16;
	_ =	sdelay $0x1  }
0xf7: {  	v19 =	vmul.f32 $1.442695020e+00, v17;
	_ =	sdelay $0x1  }
0xf8: {  	(erf) = vpow2.f32 v19  }
0xf9: {  	v17 =	vpop (erf)  }
0xfa: {  	v17 =	vadd.f32 $1.000000000e+00, v17;
	_ =	sdelay $0x1  }
0xfb: {  	(erf) = vrcp.f32 v17;
	_ =	sdelay $0x4  }
0xfc: {  	v17 =	vpop (erf)  }
0xfd: {  	v17 =	vadd.f32 $1.000000000e+00, v17;
	_ =	sdelay $0x1  }
0xfe: {  	(erf) = vrcp.f32 v17  }
0xff: {  	v17 =	vld [tilespmem:$0x260];
	v19 =	vpop (erf)  }
0x100: {  	v18 =	vmul.f32 v19, v18;
	v19 =	vld [tilespmem:$0x280]  }
0x101: {  	v20 =	vld [tilespmem:$0x30]  }
0x102: {  	v21 =	vperm.xlane v18, v0;
	v23 =	vperm.xlane v18, v1  }
0x103: {  	v25 =	vperm.xlane v18, v2;
	v26 =	vperm.xlane v18, v3;
	v22 =	vld [tilespmem:$0x2A0]  }
0x104: {  	v27 =	vperm.xlane v18, v4;
	v17 =	vmul.f32 v17, v21  }
0x105: {  	v28 =	vperm.xlane v18, v5;
	v29 =	vperm.xlane v18, v6;
	v24 =	vld [tilespmem:$0x2C0]  }
0x106: {  	v30 =	vperm.xlane v18, v7;
	v19 =	vmul.f32 v19, v23;
	v17 =	vadd.f32 v17, v20;
	v20 =	vld [tilespmem:$0x290]  }
0x107: {  	v32 =	vperm.xlane v18, v8;
	v33 =	vperm.xlane v18, v9;
	v31 =	vld [tilespmem:$0x2E0];
	v34 =	vpop (erf)  }
0x108: {  	v36 =	vperm.xlane v18, v10;
	v35 =	vld [tilespmem:$0x270];
	v17 =	vadd.f32 v19, v17;
	v19 =	vmul.f32 v22, v25  }
0x109: {  	v38 =	vperm.xlane v18, v11;
	v39 =	vperm.xlane v18, v12;
	v37 =	vld [tilespmem:$0x300]  }
0x10a: {  	v41 =	vperm.xlane v18, v13;
	v40 =	vld [tilespmem:$0x40];
	v17 =	vadd.f32 v19, v17;
	v19 =	vmul.f32 v24, v26  }
0x10b: {  	v43 =	vperm.xlane v18, v14;
	v22 =	vperm.xlane v18, v15;
	v42 =	vld [tilespmem:$0x320]  }
0x10c: {  	v18 =	vmul.f32 v34, v16;
	v16 =	vld [tilespmem:$0x2B0];
	v17 =	vadd.f32 v19, v17;
	v19 =	vmul.f32 v31, v27  }
0x10d: {  	v31 =	vmul.f32 v20, v23;
	v21 =	vmul.f32 v35, v21;
	v34 =	vld [tilespmem:$0x340]  }
0x10e: {  	v24 =	vperm.xlane v18, v0;
	v35 =	vld [tilespmem:$0x2D0];
	v17 =	vadd.f32 v19, v17;
	v19 =	vmul.f32 v37, v28  }
0x10f: {  	v23 =	vperm.xlane v18, v1;
	v37 =	vadd.f32 v21, v40;
	v40 =	vld [tilespmem:$0x360];
	v21 =	vperm.xlane v18, v2  }
0x110: {  	v20 =	vperm.xlane v18, v3;
	v44 =	vld [tilespmem:$0x2F0];
	v17 =	vadd.f32 v19, v17;
	v42 =	vmul.f32 v42, v29  }
0x111: {  	v19 =	vperm.xlane v18, v4;
	v31 =	vadd.f32 v31, v37;
	v25 =	vmul.f32 v16, v25;
	v37 =	vld [tilespmem:$0x380]  }
0x112: {  	v16 =	vperm.xlane v18, v5;
	v45 =	vld [tilespmem:$0x310];
	v42 =	vadd.f32 v42, v17;
	v34 =	vmul.f32 v34, v30  }
0x113: {  	v17 =	vperm.xlane v18, v6;
	v25 =	vadd.f32 v25, v31;
	v26 =	vmul.f32 v35, v26;
	v31 =	vld [tilespmem:$0x3A0]  }
0x114: {  	v18 =	vperm.xlane v18, v7;
	v35 =	vld [tilespmem:$0x330];
	v34 =	vadd.f32 v34, v42;
	v40 =	vmul.f32 v40, v32  }
0x115: {  	v25 =	vadd.f32 v26, v25;
	v26 =	vmul.f32 v44, v27;
	v27 =	vld [tilespmem:$0x3C0]  }
0x116: {  	v42 =	vld [tilespmem:$0x350];
	v34 =	vadd.f32 v40, v34;
	v37 =	vmul.f32 v37, v33  }
0x117: {  	v25 =	vadd.f32 v26, v25;
	v26 =	vmul.f32 v45, v28;
	v28 =	vld [tilespmem:$0x3E0]  }
0x118: {  	v40 =	vld [tilespmem:$0x370];
	v34 =	vadd.f32 v37, v34;
	v31 =	vmul.f32 v31, v36  }
0x119: {  	v25 =	vadd.f32 v26, v25;
	v26 =	vmul.f32 v35, v29;
	v29 =	vld [tilespmem:$0x400]  }
0x11a: {  	v35 =	vld [tilespmem:$0x390];
	v31 =	vadd.f32 v31, v34;
	v27 =	vmul.f32 v27, v38  }
0x11b: {  	v25 =	vadd.f32 v26, v25;
	v26 =	vmul.f32 v42, v30;
	v30 =	vld [tilespmem:$0x420]  }
0x11c: {  	v34 =	vld [tilespmem:$0x3B0];
	v27 =	vadd.f32 v27, v31;
	v28 =	vmul.f32 v28, v39  }
0x11d: {  	v25 =	vadd.f32 v26, v25;
	v26 =	vmul.f32 v40, v32;
	v31 =	vld [tilespmem:$0x440]  }
0x11e: {  	v32 =	vld [tilespmem:$0x3D0];
	v27 =	vadd.f32 v28, v27;
	v28 =	vmul.f32 v29, v41  }
0x11f: {  	v25 =	vadd.f32 v26, v25;
	v26 =	vmul.f32 v35, v33;
	v29 =	vld [tilespmem:$0x460]  }
0x120: {  	v33 =	vld [tilespmem:$0x3F0];
	v27 =	vadd.f32 v28, v27;
	v28 =	vmul.f32 v30, v43  }
0x121: {  	v25 =	vadd.f32 v26, v25;
	v26 =	vmul.f32 v34, v36;
	v30 =	vld [tilespmem:$0x480]  }
0x122: {  	v34 =	vld [tilespmem:$0x410];
	v27 =	vadd.f32 v28, v27;
	v28 =	vmul.f32 v31, v22  }
0x123: {  	v25 =	vadd.f32 v26, v25;
	v26 =	vmul.f32 v32, v38;
	v31 =	vld [tilespmem:$0x4A0]  }
0x124: {  	v32 =	vld [tilespmem:$0x430];
	v27 =	vadd.f32 v28, v27;
	v28 =	vmul.f32 v29, v24  }
0x125: {  	v25 =	vadd.f32 v26, v25;
	v26 =	vmul.f32 v33, v39;
	v29 =	vld [tilespmem:$0x4C0]  }
0x126: {  	v33 =	vld [tilespmem:$0x450];
	v27 =	vadd.f32 v28, v27;
	v28 =	vmul.f32 v30, v23  }
0x127: {  	v25 =	vadd.f32 v26, v25;
	v26 =	vmul.f32 v34, v41;
	v30 =	vld [tilespmem:$0x4E0]  }
0x128: {  	v34 =	vld [tilespmem:$0x470];
	v27 =	vadd.f32 v28, v27;
	v28 =	vmul.f32 v31, v21  }
0x129: {  	v25 =	vadd.f32 v26, v25;
	v26 =	vmul.f32 v32, v43;
	v31 =	vld [tilespmem:$0x500]  }
0x12a: {  	v32 =	vld [tilespmem:$0x490];
	v27 =	vadd.f32 v28, v27;
	v28 =	vmul.f32 v29, v20  }
0x12b: {  	v25 =	vadd.f32 v26, v25;
	v22 =	vmul.f32 v33, v22;
	v26 =	vld [tilespmem:$0x520]  }
0x12c: {  	v29 =	vld [tilespmem:$0x4B0];
	v27 =	vadd.f32 v28, v27;
	v28 =	vmul.f32 v30, v19  }
0x12d: {  	v22 =	vadd.f32 v22, v25;
	v24 =	vmul.f32 v34, v24;
	v25 =	vld [tilespmem:$0x540]  }
0x12e: {  	v30 =	vld [tilespmem:$0x4D0];
	v27 =	vadd.f32 v28, v27;
	v28 =	vmul.f32 v31, v16  }
0x12f: {  	v22 =	vadd.f32 v24, v22;
	v23 =	vmul.f32 v32, v23  }
0x130: {  	v24 =	vld [tilespmem:$0x4F0];
	v27 =	vadd.f32 v28, v27;
	v26 =	vmul.f32 v26, v17  }
0x131: {  	v22 =	vadd.f32 v23, v22;
	v21 =	vmul.f32 v29, v21  }
0x132: {  	v23 =	vld [tilespmem:$0x510];
	v26 =	vadd.f32 v26, v27;
	v25 =	vmul.f32 v25, v18  }
0x133: {  	v21 =	vadd.f32 v21, v22;
	v20 =	vmul.f32 v30, v20  }
0x134: {  	v22 =	vld [tilespmem:$0x530];
	v25 =	vadd.f32 v25, v26  }
0x135: {  	v20 =	vadd.f32 v20, v21;
	v19 =	vmul.f32 v24, v19  }
0x136: {  	v21 =	vld [tilespmem:$0x550];
	v24 =	vsub.f32 $0.0e+00, v25  }
0x137: {  	v19 =	vadd.f32 v19, v20;
	v16 =	vmul.f32 v23, v16  }
0x138: {  	v20 =	vmul.f32 $1.442695020e+00, v24  }
0x139: {  	v16 =	vadd.f32 v16, v19;
	v17 =	vmul.f32 v22, v17  }
0x13a: {  	(erf) = vpow2.f32 v20  }
0x13b: {  	v16 =	vadd.f32 v17, v16;
	v17 =	vmul.f32 v21, v18;
	_ =	sdelay $0x1  }
0x13c: {  	v16 =	vadd.f32 v17, v16;
	_ =	sdelay $0x1  }
0x13d: {  	v17 =	vsub.f32 $0.0e+00, v16;
	_ =	sdelay $0x1  }
0x13e: {  	v17 =	vmul.f32 $1.442695020e+00, v17;
	_ =	sdelay $0x1  }
0x13f: {  	v18 =	vpop (erf);
	(erf) = vpow2.f32 v17  }
0x140: {  	v17 =	vadd.f32 $1.000000000e+00, v18;
	_ =	sdelay $0x1  }
0x141: {  	(erf) = vrcp.f32 v17;
	_ =	sdelay $0x5  }
0x142: {  	v17 =	vpop (erf)  }
0x143: {  	v17 =	vadd.f32 $1.000000000e+00, v17;
	_ =	sdelay $0x1  }
0x144: {  	v18 =	vld [tilespmem:$0x560];
	v19 =	vpop (erf);
	(erf) = vrcp.f32 v17  }
0x145: {  	v17 =	vmul.f32 v19, v25;
	v19 =	vld [tilespmem:$0x570]  }
0x146: {  	v20 =	vld [tilespmem:$0x50]  }
0x147: {  	v21 =	vperm.xlane v17, v0;
	v22 =	vperm.xlane v17, v1  }
0x148: {  	v23 =	vperm.xlane v17, v2;
	v25 =	vperm.xlane v17, v3;
	v24 =	vld [tilespmem:$0x580]  }
0x149: {  	v18 =	vmul.f32 v18, v21;
	v21 =	vperm.xlane v17, v4  }
0x14a: {  	v27 =	vperm.xlane v17, v5;
	v28 =	vperm.xlane v17, v6;
	v26 =	vld [tilespmem:$0x590]  }
0x14b: {  	v19 =	vmul.f32 v19, v22;
	v18 =	vadd.f32 v18, v20;
	v20 =	vperm.xlane v17, v7  }
0x14c: {  	v29 =	vperm.xlane v17, v8;
	v30 =	vperm.xlane v17, v9;
	v22 =	vld [tilespmem:$0x5A0]  }
0x14d: {  	v18 =	vadd.f32 v19, v18;
	v19 =	vmul.f32 v24, v23;
	v23 =	vperm.xlane v17, v10;
	v24 =	vpop (erf)  }
0x14e: {  	v32 =	vperm.xlane v17, v11;
	v33 =	vperm.xlane v17, v12;
	v31 =	vld [tilespmem:$0x5B0]  }
0x14f: {  	v18 =	vadd.f32 v19, v18;
	v19 =	vmul.f32 v26, v25;
	v25 =	vperm.xlane v17, v13  }
0x150: {  	v34 =	vperm.xlane v17, v14;
	v17 =	vperm.xlane v17, v15;
	v26 =	vld [tilespmem:$0x5C0]  }
0x151: {  	v16 =	vmul.f32 v24, v16;
	v18 =	vadd.f32 v19, v18;
	v19 =	vmul.f32 v22, v21  }
0x152: {  	v21 =	vld [tilespmem:$0x5D0]  }
0x153: {  	v22 =	vperm.xlane v16, v0;
	v18 =	vadd.f32 v19, v18;
	v19 =	vmul.f32 v31, v27  }
0x154: {  	v27 =	vperm.xlane v16, v1;
	v31 =	vperm.xlane v16, v3;
	v24 =	vld [tilespmem:$0x5E0]  }
0x155: {  	v18 =	vadd.f32 v19, v18;
	v19 =	vmul.f32 v26, v28;
	v26 =	vperm.xlane v16, v4  }
0x156: {  	v35 =	vperm.xlane v16, v5;
	v36 =	vperm.xlane v16, v6;
	v28 =	vld [tilespmem:$0x5F0]  }
0x157: {  	v18 =	vadd.f32 v19, v18;
	v19 =	vmul.f32 v21, v20;
	v20 =	vperm.xlane v16, v7  }
0x158: {  	v21 =	vld [tilespmem:$0x600]  }
0x159: {  	v18 =	vadd.f32 v19, v18;
	v19 =	vmul.f32 v24, v29  }
0x15a: {  	v24 =	vld [tilespmem:$0x610]  }
0x15b: {  	v18 =	vadd.f32 v19, v18;
	v19 =	vmul.f32 v28, v30  }
0x15c: {  	v28 =	vld [tilespmem:$0x620]  }
0x15d: {  	v18 =	vadd.f32 v19, v18;
	v19 =	vmul.f32 v21, v23  }
0x15e: {  	v21 =	vld [tilespmem:$0x630]  }
0x15f: {  	v18 =	vadd.f32 v19, v18;
	v19 =	vmul.f32 v24, v32  }
0x160: {  	v23 =	vld [tilespmem:$0x640]  }
0x161: {  	v18 =	vadd.f32 v19, v18;
	v19 =	vmul.f32 v28, v33  }
0x162: {  	v24 =	vld [tilespmem:$0x650]  }
0x163: {  	v18 =	vadd.f32 v19, v18;
	v19 =	vmul.f32 v21, v25  }
0x164: {  	v21 =	vld [tilespmem:$0x660]  }
0x165: {  	v18 =	vadd.f32 v19, v18;
	v19 =	vmul.f32 v23, v34  }
0x166: {  	v23 =	vld [tilespmem:$0x670]  }
0x167: {  	v18 =	vadd.f32 v19, v18;
	v17 =	vmul.f32 v24, v17  }
0x168: {  	v19 =	vld [tilespmem:$0x680]  }
0x169: {  	v17 =	vadd.f32 v17, v18;
	v18 =	vmul.f32 v21, v22  }
0x16a: {  	v21 =	vld [tilespmem:$0x690]  }
0x16b: {  	v16 =	vperm.xlane v16, v2;
	v17 =	vadd.f32 v18, v17;
	v18 =	vmul.f32 v23, v27  }
0x16c: {  	v22 =	vld [tilespmem:$0x6A0]  }
0x16d: {  	v17 =	vadd.f32 v18, v17;
	v16 =	vmul.f32 v19, v16  }
0x16e: {  	v18 =	vld [tilespmem:$0x6B0]  }
0x16f: {  	v16 =	vadd.f32 v16, v17;
	v17 =	vmul.f32 v21, v31  }
0x170: {  	v19 =	vld [tilespmem:$0x6C0]  }
0x171: {  	v16 =	vadd.f32 v17, v16;
	v17 =	vmul.f32 v22, v26  }
0x172: {  	v21 =	vld [tilespmem:$0x6D0]  }
0x173: {  	v16 =	vadd.f32 v17, v16;
	v17 =	vmul.f32 v18, v35;
	_ =	sdelay $0x1  }
0x174: {  	v16 =	vadd.f32 v17, v16;
	v17 =	vmul.f32 v19, v36;
	_ =	sdelay $0x1  }
0x175: {  	v16 =	vadd.f32 v17, v16;
	v17 =	vmul.f32 v21, v20;
	_ =	sdelay $0x1  }
0x176: {  	v16 =	vadd.f32 v17, v16  }
.Ltmp2:
0x177: {  	(pc) =	sbr.rel @p0 .LBB2_2-.Ltmp2, $4  }
0x178: {  	[tilespmem:$0x700] =	vst v16  }
0x179: {  	[hbm4b:s2+s5] =	stream.linear.scatter [tilespmem:s6], [sflag:$0x1], $0x80, $0x38;
	[tilespmem:$0x780] =	vst v63  }
0x17a: {  	_ =	swait.ge [sflag:s4], $0x80  }
0x17b: {  	[sflag:s4] =	ssyncset.done $0x0  }
.LBB2_3:
0x17c: {  	[sflag:s4] =	ssyncadd.s32 $0xFFFFFF80  }
.LBB2_4:
0x17d: {  	_ =	sfence.sel $0x180000  }
0x17e: {  	[bflag:$0x0] =	sbarrier.arrive $0xFFFF  }
0x17f: {  	p0 =	sne.s32 s0, $0x0;
	_ =	strace $0x90000047  }
0x180: {  	s0 =	sadd.s32 @!p0 $0x100000, s1;
	[bflag:$0x2] =	sbarrier.arrive $0xFFFF  }
0x181: {  	[sflag:s0] =	ssyncadd.tile.s32 @!p0 $0x1;
	_ =	shalt  }
.Lfunc_end2:
_tile_overlayer_lowered:
.L_overlay_start_2:
0x182: {  	(tag) =	ssettag $0x2  }
0x183: {  	s0 =	rddreg [dreg:$0x0];
	s2 =	stileid.u32  }
0x184: {  	s1 =	rddreg [dreg:$0x1];
	p0 =	sne.s32 s2, $0x0  }
0x185: {  	s3 =	rddreg [dreg:$0x2];
	[bflag:$0x3] =	sbarrier.arrive $0xFFFF;
	s2 =	simm.s32 @!p0 $0x1C01  }
0x186: {  	[timem:s3], [sflag:s2] =	dma.local @!p0 [hbm:s0], s1  }
0x187: {  	s0 =	simm.s32 @!p0 $0x1  }
0x188: {  	_ =	swait.ge @!p0 [sflag:s0], s1  }
0x189: {  	s1 =	ssub.s32 @!p0 $0x0, s1;
	[sflag:s0] =	ssyncset.done @!p0 $0x0  }
0x18a: {  	[sflag:s0] =	ssyncadd.s32 @!p0 s1  }
0x18b: {  	[bflag:$0x3] =	sbarrier.arrive $0xFFFF  }
0x18c: {  	_ =	shalt  }

</sc_bundles>
